<compile_context>
chip_gen: v7x
topology: tpu7x:2x2x1
jax: 0.10.2.dev20260603
libtpu: 0.0.44.dev20260713+nightly
codegen_flags: <defaults>
</compile_context>

<pallas_src>
import functools

import jax
import jax.numpy as jnp
import numpy as np
from jax import lax
from jax.experimental import pallas as pl
from jax.experimental.pallas import tpu as pltpu
from jax.experimental.pallas import tpu_sc as plsc

COEF_TEMP = 0.0001
N = 1048576
K = N // 2
NSUB = 16
CHUNK = N // NSUB
LANES = 16
NVREG = CHUNK // LANES
NROUND = 31

_TOP = np.uint32(0x80000000)
_ALL = np.uint32(0xFFFFFFFF)


def _mesh():
    return plsc.VectorSubcoreMesh(
        core_axis_name="c", subcore_axis_name="s", num_cores=1)


@functools.partial(
    pl.kernel,
    out_type=jax.ShapeDtypeStruct((LANES,), jnp.float32),
    mesh=_mesh(),
    compiler_params=pltpu.CompilerParams(needs_layout_passes=False),
    scratch_types=[
        pltpu.VMEM((CHUNK,), jnp.float32),
        pltpu.VMEM((LANES,), jnp.float32),
        pltpu.VMEM((LANES,), jnp.int32),
        pltpu.VMEM((NROUND * LANES,), jnp.int32),
        pltpu.VMEM((NSUB, LANES), jnp.float32),
        pltpu.VMEM((NSUB, LANES), jnp.int32),
        pltpu.VMEM_SHARED((NSUB, LANES), jnp.float32),
        pltpu.VMEM_SHARED((NSUB, LANES), jnp.int32),
        pltpu.VMEM_SHARED((NROUND * LANES,), jnp.int32),
    ],
)
def _sc_loss(inv_t_hbm, adv_hbm, out_hbm,
             data, stf, sti, zvm, rdf, rdi, shf, shi, shr):
    sid = lax.axis_index("s")
    base = sid * CHUNK

    pltpu.sync_copy(adv_hbm.at[pl.ds(base, CHUNK)], data)
    pltpu.sync_copy(inv_t_hbm, stf)
    it_vec = stf[...]

    zi = jnp.zeros((LANES,), jnp.int32)
    zf = jnp.zeros((LANES,), jnp.float32)

    @pl.when(sid == 0)
    def _():
        def zb(i, c):
            zvm[pl.ds(i * LANES, LANES)] = zi
            return c
        lax.fori_loop(0, NROUND, zb, 0)
        pltpu.sync_copy(zvm, shr)

    def max_conv_body(i, acc):
        m0, m1, c0, c1 = acc
        for j in range(4):
            sl = pl.ds((4 * i + j) * LANES, LANES)
            x = data[sl]
            if j % 2 == 0:
                m0 = jnp.maximum(m0, x)
            else:
                m1 = jnp.maximum(m1, x)
            b = lax.bitcast_convert_type(x, jnp.int32)
            ku = lax.bitcast_convert_type(b, jnp.uint32) ^ jnp.where(
                b < 0, _ALL, _TOP)
            data[sl] = lax.bitcast_convert_type(ku, jnp.float32)
            if j % 2 == 0:
                c0 = c0 + jnp.where(ku >= _TOP, 1, 0).astype(jnp.int32)
            else:
                c1 = c1 + jnp.where(ku >= _TOP, 1, 0).astype(jnp.int32)
        return m0, m1, c0, c1

    ninf = jnp.full((LANES,), -jnp.inf, jnp.float32)
    m0, m1, c0, c1 = lax.fori_loop(
        0, NVREG // 4, max_conv_body, (ninf, ninf, zi, zi))
    stf[...] = jnp.maximum(m0, m1)
    sti[...] = jnp.full((LANES,), jnp.sum(c0 + c1), jnp.int32)
    pltpu.sync_copy(stf, shf.at[sid])
    pltpu.sync_copy(sti, shi.at[sid])
    plsc.subcore_barrier()
    pltpu.sync_copy(shf, rdf)
    pltpu.sync_copy(shi, rdi)

    def comb(i, carry):
        m, c = carry
        return jnp.maximum(m, rdf[i]), c + rdi[i]
    Mvec_all, cpos = lax.fori_loop(0, NSUB, comb, (ninf, zi))
    M = jnp.max(Mvec_all)
    Mvec = jnp.full((LANES,), M)
    tot_pos = jnp.max(cpos)
    lo0 = jnp.where(tot_pos >= K, jnp.uint32(_TOP), jnp.uint32(0))

    def round_body(r, lo):
        bit = jnp.uint32(30) - r.astype(jnp.uint32)
        cand = lo | (jnp.uint32(1) << bit)
        cand_v = jnp.full((LANES,), cand)

        def count_body(i, acc):
            a0, a1 = acc
            for j in range(8):
                sl = pl.ds((8 * i + j) * LANES, LANES)
                ku = lax.bitcast_convert_type(data[sl], jnp.uint32)
                m = jnp.where(ku >= cand_v, 1, 0).astype(jnp.int32)
                if j % 2 == 0:
                    a0 = a0 + m
                else:
                    a1 = a1 + m
            return a0, a1

        a0, a1 = lax.fori_loop(0, NVREG // 8, count_body, (zi, zi))
        cnt = jnp.sum(a0 + a1)
        sti[...] = jnp.full((LANES,), cnt, jnp.int32)
        row_idx = r * LANES + lax.iota(jnp.int32, LANES)
        pltpu.sync_copy(sti, shr.at[row_idx], add=True)
        plsc.subcore_barrier()
        pltpu.sync_copy(shr.at[pl.ds(r * LANES, LANES)], sti)
        total = jnp.max(sti[...])
        return jnp.where(total >= K, cand, lo)

    v = lax.fori_loop(0, NROUND, round_body, lo0)

    v_v = jnp.full((LANES,), v)

    def final_body(i, carry):
        cacc, sacc = carry
        for j in range(4):
            sl = pl.ds((4 * i + j) * LANES, LANES)
            ku = lax.bitcast_convert_type(data[sl], jnp.uint32)
            gt = ku > v_v
            cacc = cacc + jnp.where(gt, 1, 0).astype(jnp.int32)
            ub = ku ^ jnp.where(ku >= _TOP, _TOP, _ALL)
            x = lax.bitcast_convert_type(ub, jnp.float32)
            e = jnp.exp((x - Mvec) * it_vec)
            sacc = sacc + jnp.where(gt, e, jnp.float32(0))
        return cacc, sacc

    cacc, sacc = lax.fori_loop(0, NVREG // 4, final_body, (zi, zf))

    stf[...] = sacc
    sti[...] = jnp.full((LANES,), jnp.sum(cacc), jnp.int32)
    pltpu.sync_copy(stf, shf.at[sid])
    pltpu.sync_copy(sti, shi.at[sid])
    plsc.subcore_barrier()
    pltpu.sync_copy(shf, rdf)
    pltpu.sync_copy(shi, rdi)

    def fin_comb(i, carry):
        sv, cv = carry
        return sv + rdf[i], cv + rdi[i]
    sv, cv = lax.fori_loop(0, NSUB, fin_comb, (zf, zi))
    S_gt = jnp.sum(sv)
    cnt_gt = jnp.max(cv)

    mult = (K - cnt_gt).astype(jnp.float32)
    ub_v = v ^ jnp.where(v >= _TOP, _TOP, _ALL)
    v_f = lax.bitcast_convert_type(ub_v, jnp.float32)
    term_vec = jnp.exp((jnp.full((LANES,), v_f) - Mvec) * it_vec)
    S_full_vec = jnp.full((LANES,), S_gt) + term_vec * mult

    idx = lax.iota(jnp.int32, 16)
    outv = jnp.where(idx == 0, S_full_vec, Mvec)

    @pl.when(sid == 0)
    def _():
        stf[...] = outv
        pltpu.sync_copy(stf, out_hbm)


def kernel(temperature, advantages):
    tp = temperature + 0.001
    inv_t = jnp.broadcast_to(1.0 / tp, (LANES,)).astype(jnp.float32)
    out = _sc_loss(inv_t, advantages)
    S = out[0]
    M = out[1]
    lse = M / tp + jnp.log(S)
    n = jnp.float32(K)
    loss = temperature * COEF_TEMP + temperature * (lse - jnp.log(n))
    return jnp.squeeze(loss)

# --- scband reference (transcript-rebuilt; emitter-appended) ---
"""Pipeline reference for scband-temperature-loss-81810537054591 (READ-ONLY COPY).

The authoritative reference and input builder live on the scoring server;
editing this copy changes nothing except your own understanding.
"""

import jax, jax.numpy as jnp
import numpy as np
import math

COEF_TEMP = 0.0001


def setup_inputs(seed: int = 0) -> dict:
    key = jax.random.key(seed)
    k1, k2 = jax.random.split(key)
    temperature = jnp.ones((1,), dtype=jnp.float32)
    advantages = jax.random.normal(k2, (1048576,), dtype=jnp.float32)
    return {"temperature": temperature, "advantages": advantages}


def reference(temperature, advantages):
    # torch.topk(advantages, ceil(N/2), dim=0) on a 1-D tensor
    k = math.ceil(advantages.shape[0] / 2)
    top_adv, _ = jax.lax.top_k(advantages, k)
    ratio = top_adv / (temperature + 0.001)  # broadcast: [k] / [1] -> [k]
    n = jnp.asarray(k, dtype=jnp.float32)
    lse = jax.scipy.special.logsumexp(ratio, axis=0)
    loss = temperature * COEF_TEMP + temperature * (lse - jnp.log(n))
    return jnp.squeeze(loss)

if __name__ == "__main__":
    import jax
    _d = setup_inputs()
    print(jax.jit(kernel)(*tuple(_d.values())))

</pallas_src>

<mosaic_0001>
#map = affine_map<(d0, d1) -> (0)>
module attributes {stable_mosaic.version = 14 : i64} {
  func.func @_sc_loss(%arg0: i32, %arg1: i32, %arg2: memref<16xf32, #tpu.memory_space<hbm>>, %arg3: memref<1048576xf32, #tpu.memory_space<hbm>>, %arg4: memref<16xf32, #tpu.memory_space<hbm>>, %arg5: memref<65536xf32, #tpu.memory_space<vmem>>, %arg6: memref<16xf32, #tpu.memory_space<vmem>>, %arg7: memref<16xi32, #tpu.memory_space<vmem>>, %arg8: memref<496xi32, #tpu.memory_space<vmem>>, %arg9: memref<16x16xf32, #tpu.memory_space<vmem>>, %arg10: memref<16x16xi32, #tpu.memory_space<vmem>>, %arg11: memref<16x16xf32, #tpu.memory_space<vmem_shared>>, %arg12: memref<16x16xi32, #tpu.memory_space<vmem_shared>>, %arg13: memref<496xi32, #tpu.memory_space<vmem_shared>>) attributes {dimension_semantics = [#tpu.dimension_semantics<core_parallel>, #tpu.dimension_semantics<subcore_parallel>], iteration_bounds = array<i64: 1, 16>, scalar_prefetch = 0 : i64, scratch_operands = 9 : i64, tpu.core_type = #tpu.core_type<sc_vector_subcore>, window_params = [{transform_indices = #map}, {transform_indices = #map}, {transform_indices = #map}]} {
    %mul3A = arith.constant 65536 : i32
    %mul3A_0 = arith.muli %arg1, %mul3A : i32
    "tpu.region"() ({
      %run_scoped3A = tpu.sem_alloc : memref<!tpu.dma_semaphore, #tpu.memory_space<semaphore_mem>>
      %dma_start3A = tpu.memref_slice %arg3[%mul3A_0] : memref<1048576xf32, #tpu.memory_space<hbm>> -> memref<65536xf32, #tpu.memory_space<hbm>>
      %dma_start3A_105 = tpu.memref_slice %arg3[%mul3A_0] : memref<1048576xf32, #tpu.memory_space<hbm>> -> memref<65536xf32, #tpu.memory_space<hbm>>
      tpu.enqueue_dma source(%dma_start3A_105 : memref<65536xf32, #tpu.memory_space<hbm>>) target(%arg5 : memref<65536xf32, #tpu.memory_space<vmem>>) target_semaphore(%run_scoped3A : memref<!tpu.dma_semaphore, #tpu.memory_space<semaphore_mem>>)
      %dma_wait3A = tpu.memref_slice %arg3[%mul3A_0] : memref<1048576xf32, #tpu.memory_space<hbm>> -> memref<65536xf32, #tpu.memory_space<hbm>>
      %dma_wait3A_106 = tpu.memref_slice %arg3[%mul3A_0] : memref<1048576xf32, #tpu.memory_space<hbm>> -> memref<65536xf32, #tpu.memory_space<hbm>>
      tpu.wait_dma2 semaphore(%run_scoped3A : memref<!tpu.dma_semaphore, #tpu.memory_space<semaphore_mem>>) src(%dma_wait3A_106 : memref<65536xf32, #tpu.memory_space<hbm>>) dst(%arg5 : memref<65536xf32, #tpu.memory_space<vmem>>)
      tpu.yield
    }) : () -> ()
    "tpu.region"() ({
      %run_scoped3A = tpu.sem_alloc : memref<!tpu.dma_semaphore, #tpu.memory_space<semaphore_mem>>
      tpu.enqueue_dma source(%arg2 : memref<16xf32, #tpu.memory_space<hbm>>) target(%arg6 : memref<16xf32, #tpu.memory_space<vmem>>) target_semaphore(%run_scoped3A : memref<!tpu.dma_semaphore, #tpu.memory_space<semaphore_mem>>)
      tpu.wait_dma2 semaphore(%run_scoped3A : memref<!tpu.dma_semaphore, #tpu.memory_space<semaphore_mem>>) src(%arg2 : memref<16xf32, #tpu.memory_space<hbm>>) dst(%arg6 : memref<16xf32, #tpu.memory_space<vmem>>)
      tpu.yield
    }) : () -> ()
    %get3A = arith.constant 0 : index
    %get3A_1 = tpu.vector_load %arg6[%get3A] {strides = array<i32>} : memref<16xf32, #tpu.memory_space<vmem>>, vector<16xf32>,
    %broadcast_in_dim3A = arith.constant 0 : i32
    %broadcast_in_dim3A_2 = vector.broadcast %broadcast_in_dim3A : i32 to vector<16xi32>
    %broadcast_in_dim3A_3 = arith.constant 0.000000e+00 : f32
    %broadcast_in_dim3A_4 = vector.broadcast %broadcast_in_dim3A_3 : f32 to vector<16xf32>
    %eq3A = arith.constant 0 : i32
    %eq3A_5 = arith.cmpi eq, %arg1, %eq3A : i32
    %convert_element_type3A = arith.extui %eq3A_5 : i1 to i32
    %cond3A = arith.constant 0 : i32
    %cond3A_6 = arith.cmpi ne, %convert_element_type3A, %cond3A : i32
    scf.if %cond3A_6 {
      %scan3A_105 = arith.constant 0 : i32
      %scan3A_106 = arith.constant 0 : i32
      %scan3A_107 = arith.constant 31 : i32
      %scan3A_108 = arith.addi %scan3A_106, %scan3A_107 : i32
      %scan3A_109 = arith.constant 1 : i32
      scf.for %scan3A_111 = %scan3A_106 to %scan3A_108 step %scan3A_109  : i32 {
        %mul3A_112 = arith.constant 16 : i32
        %mul3A_113 = arith.muli %scan3A_111, %mul3A_112 : i32
        %swap3A_114 = arith.index_cast %mul3A_113 : i32 to index
        %swap3A_115 = tpu.vector_load %arg8[%swap3A_114] {strides = array<i32>} : memref<496xi32, #tpu.memory_space<vmem>>, vector<16xi32>,
        tpu.vector_store %arg8[%swap3A_114], %broadcast_in_dim3A_2 {strides = array<i32>} : memref<496xi32, #tpu.memory_space<vmem>>, vector<16xi32>,
      }
      %scan3A_110 = arith.constant 31 : i32
      "tpu.region"() ({
        %run_scoped3A = tpu.sem_alloc : memref<!tpu.dma_semaphore, #tpu.memory_space<semaphore_mem>>
        tpu.enqueue_dma source(%arg8 : memref<496xi32, #tpu.memory_space<vmem>>) target(%arg13 : memref<496xi32, #tpu.memory_space<vmem_shared>>) target_semaphore(%run_scoped3A : memref<!tpu.dma_semaphore, #tpu.memory_space<semaphore_mem>>)
        tpu.wait_dma2 semaphore(%run_scoped3A : memref<!tpu.dma_semaphore, #tpu.memory_space<semaphore_mem>>) src(%arg8 : memref<496xi32, #tpu.memory_space<vmem>>) dst(%arg13 : memref<496xi32, #tpu.memory_space<vmem_shared>>)
        tpu.yield
      }) : () -> ()
    } else {
    }
    %broadcast_in_dim3A_7 = arith.constant 0xFF800000 : f32
    %broadcast_in_dim3A_8 = vector.broadcast %broadcast_in_dim3A_7 : f32 to vector<16xf32>
    %scan3A = arith.constant 0 : i32
    %scan3A_9 = arith.constant 1024 : i32
    %scan3A_10 = arith.addi %scan3A, %scan3A_9 : i32
    %scan3A_11 = arith.constant 1 : i32
    %scan3A_12:4 = scf.for %scan3A_105 = %scan3A to %scan3A_10 step %scan3A_11 iter_args(%scan3A_106 = %broadcast_in_dim3A_8, %scan3A_107 = %broadcast_in_dim3A_8, %scan3A_108 = %broadcast_in_dim3A_2, %scan3A_109 = %broadcast_in_dim3A_2) -> (vector<16xf32>, vector<16xf32>, vector<16xi32>, vector<16xi32>)  : i32 {
      %mul3A_110 = arith.constant 4 : i32
      %mul3A_111 = arith.muli %mul3A_110, %scan3A_105 : i32
      %add3A_112 = arith.constant 0 : i32
      %add3A_113 = arith.addi %mul3A_111, %add3A_112 : i32
      %mul3A_114 = arith.constant 16 : i32
      %mul3A_115 = arith.muli %add3A_113, %mul3A_114 : i32
      %get3A_116 = arith.index_cast %mul3A_115 : i32 to index
      %get3A_117 = tpu.vector_load %arg5[%get3A_116] {strides = array<i32>} : memref<65536xf32, #tpu.memory_space<vmem>>, vector<16xf32>,
      %max3A_118 = arith.maximumf %scan3A_106, %get3A_117 : vector<16xf32>
      %bitcast_convert_type3A_119 = tpu.bitcast %get3A_117 : vector<16xf32> -> vector<16xi32>
      %bitcast_convert_type3A_120 = tpu.bitcast %bitcast_convert_type3A_119 : vector<16xi32> -> vector<16xi32>
      %lt3A = arith.constant 0 : i32
      %lt3A_121 = vector.broadcast %lt3A : i32 to vector<16xi32>
      %lt3A_122 = arith.cmpi slt, %bitcast_convert_type3A_119, %lt3A_121 : vector<16xi32>
      %jit3A_123 = arith.constant -1 : i32
      %jit3A_124 = arith.constant -2147483648 : i32
      %broadcast_in_dim3A_125 = vector.broadcast %jit3A_123 : i32 to vector<16xi32>
      %broadcast_in_dim3A_126 = vector.broadcast %jit3A_124 : i32 to vector<16xi32>
      %select_n3A_127 = arith.select %lt3A_122, %broadcast_in_dim3A_125, %broadcast_in_dim3A_126 : vector<16xi1>, vector<16xi32>
      %xor3A_128 = arith.xori %bitcast_convert_type3A_120, %select_n3A_127 : vector<16xi32>
      %bitcast_convert_type3A_129 = tpu.bitcast %xor3A_128 : vector<16xi32> -> vector<16xf32>
      %swap3A_130 = arith.index_cast %mul3A_115 : i32 to index
      %swap3A_131 = tpu.vector_load %arg5[%swap3A_130] {strides = array<i32>} : memref<65536xf32, #tpu.memory_space<vmem>>, vector<16xf32>,
      tpu.vector_store %arg5[%swap3A_130], %bitcast_convert_type3A_129 {strides = array<i32>} : memref<65536xf32, #tpu.memory_space<vmem>>, vector<16xf32>,
      %ge3A_132 = arith.constant -2147483648 : i32
      %ge3A_133 = vector.broadcast %ge3A_132 : i32 to vector<16xi32>
      %ge3A_134 = arith.cmpi uge, %xor3A_128, %ge3A_133 : vector<16xi32>
      %jit3A_135 = arith.constant 1 : i32
      %jit3A_136 = arith.constant 0 : i32
      %broadcast_in_dim3A_137 = vector.broadcast %jit3A_135 : i32 to vector<16xi32>
      %broadcast_in_dim3A_138 = vector.broadcast %jit3A_136 : i32 to vector<16xi32>
      %select_n3A_139 = arith.select %ge3A_134, %broadcast_in_dim3A_137, %broadcast_in_dim3A_138 : vector<16xi1>, vector<16xi32>
      %add3A_140 = arith.addi %scan3A_108, %select_n3A_139 : vector<16xi32>
      %mul3A_141 = arith.constant 4 : i32
      %mul3A_142 = arith.muli %mul3A_141, %scan3A_105 : i32
      %add3A_143 = arith.constant 1 : i32
      %add3A_144 = arith.addi %mul3A_142, %add3A_143 : i32
      %mul3A_145 = arith.constant 16 : i32
      %mul3A_146 = arith.muli %add3A_144, %mul3A_145 : i32
      %get3A_147 = arith.index_cast %mul3A_146 : i32 to index
      %get3A_148 = tpu.vector_load %arg5[%get3A_147] {strides = array<i32>} : memref<65536xf32, #tpu.memory_space<vmem>>, vector<16xf32>,
      %max3A_149 = arith.maximumf %scan3A_107, %get3A_148 : vector<16xf32>
      %bitcast_convert_type3A_150 = tpu.bitcast %get3A_148 : vector<16xf32> -> vector<16xi32>
      %bitcast_convert_type3A_151 = tpu.bitcast %bitcast_convert_type3A_150 : vector<16xi32> -> vector<16xi32>
      %lt3A_152 = arith.constant 0 : i32
      %lt3A_153 = vector.broadcast %lt3A_152 : i32 to vector<16xi32>
      %lt3A_154 = arith.cmpi slt, %bitcast_convert_type3A_150, %lt3A_153 : vector<16xi32>
      %jit3A_155 = arith.constant -1 : i32
      %jit3A_156 = arith.constant -2147483648 : i32
      %broadcast_in_dim3A_157 = vector.broadcast %jit3A_155 : i32 to vector<16xi32>
      %broadcast_in_dim3A_158 = vector.broadcast %jit3A_156 : i32 to vector<16xi32>
      %select_n3A_159 = arith.select %lt3A_154, %broadcast_in_dim3A_157, %broadcast_in_dim3A_158 : vector<16xi1>, vector<16xi32>
      %xor3A_160 = arith.xori %bitcast_convert_type3A_151, %select_n3A_159 : vector<16xi32>
      %bitcast_convert_type3A_161 = tpu.bitcast %xor3A_160 : vector<16xi32> -> vector<16xf32>
      %swap3A_162 = arith.index_cast %mul3A_146 : i32 to index
      %swap3A_163 = tpu.vector_load %arg5[%swap3A_162] {strides = array<i32>} : memref<65536xf32, #tpu.memory_space<vmem>>, vector<16xf32>,
      tpu.vector_store %arg5[%swap3A_162], %bitcast_convert_type3A_161 {strides = array<i32>} : memref<65536xf32, #tpu.memory_space<vmem>>, vector<16xf32>,
      %ge3A_164 = arith.constant -2147483648 : i32
      %ge3A_165 = vector.broadcast %ge3A_164 : i32 to vector<16xi32>
      %ge3A_166 = arith.cmpi uge, %xor3A_160, %ge3A_165 : vector<16xi32>
      %jit3A_167 = arith.constant 1 : i32
      %jit3A_168 = arith.constant 0 : i32
      %broadcast_in_dim3A_169 = vector.broadcast %jit3A_167 : i32 to vector<16xi32>
      %broadcast_in_dim3A_170 = vector.broadcast %jit3A_168 : i32 to vector<16xi32>
      %select_n3A_171 = arith.select %ge3A_166, %broadcast_in_dim3A_169, %broadcast_in_dim3A_170 : vector<16xi1>, vector<16xi32>
      %add3A_172 = arith.addi %scan3A_109, %select_n3A_171 : vector<16xi32>
      %mul3A_173 = arith.constant 4 : i32
      %mul3A_174 = arith.muli %mul3A_173, %scan3A_105 : i32
      %add3A_175 = arith.constant 2 : i32
      %add3A_176 = arith.addi %mul3A_174, %add3A_175 : i32
      %mul3A_177 = arith.constant 16 : i32
      %mul3A_178 = arith.muli %add3A_176, %mul3A_177 : i32
      %get3A_179 = arith.index_cast %mul3A_178 : i32 to index
      %get3A_180 = tpu.vector_load %arg5[%get3A_179] {strides = array<i32>} : memref<65536xf32, #tpu.memory_space<vmem>>, vector<16xf32>,
      %max3A_181 = arith.maximumf %max3A_118, %get3A_180 : vector<16xf32>
      %bitcast_convert_type3A_182 = tpu.bitcast %get3A_180 : vector<16xf32> -> vector<16xi32>
      %bitcast_convert_type3A_183 = tpu.bitcast %bitcast_convert_type3A_182 : vector<16xi32> -> vector<16xi32>
      %lt3A_184 = arith.constant 0 : i32
      %lt3A_185 = vector.broadcast %lt3A_184 : i32 to vector<16xi32>
      %lt3A_186 = arith.cmpi slt, %bitcast_convert_type3A_182, %lt3A_185 : vector<16xi32>
      %jit3A_187 = arith.constant -1 : i32
      %jit3A_188 = arith.constant -2147483648 : i32
      %broadcast_in_dim3A_189 = vector.broadcast %jit3A_187 : i32 to vector<16xi32>
      %broadcast_in_dim3A_190 = vector.broadcast %jit3A_188 : i32 to vector<16xi32>
      %select_n3A_191 = arith.select %lt3A_186, %broadcast_in_dim3A_189, %broadcast_in_dim3A_190 : vector<16xi1>, vector<16xi32>
      %xor3A_192 = arith.xori %bitcast_convert_type3A_183, %select_n3A_191 : vector<16xi32>
      %bitcast_convert_type3A_193 = tpu.bitcast %xor3A_192 : vector<16xi32> -> vector<16xf32>
      %swap3A_194 = arith.index_cast %mul3A_178 : i32 to index
      %swap3A_195 = tpu.vector_load %arg5[%swap3A_194] {strides = array<i32>} : memref<65536xf32, #tpu.memory_space<vmem>>, vector<16xf32>,
      tpu.vector_store %arg5[%swap3A_194], %bitcast_convert_type3A_193 {strides = array<i32>} : memref<65536xf32, #tpu.memory_space<vmem>>, vector<16xf32>,
      %ge3A_196 = arith.constant -2147483648 : i32
      %ge3A_197 = vector.broadcast %ge3A_196 : i32 to vector<16xi32>
      %ge3A_198 = arith.cmpi uge, %xor3A_192, %ge3A_197 : vector<16xi32>
      %jit3A_199 = arith.constant 1 : i32
      %jit3A_200 = arith.constant 0 : i32
      %broadcast_in_dim3A_201 = vector.broadcast %jit3A_199 : i32 to vector<16xi32>
      %broadcast_in_dim3A_202 = vector.broadcast %jit3A_200 : i32 to vector<16xi32>
      %select_n3A_203 = arith.select %ge3A_198, %broadcast_in_dim3A_201, %broadcast_in_dim3A_202 : vector<16xi1>, vector<16xi32>
      %add3A_204 = arith.addi %add3A_140, %select_n3A_203 : vector<16xi32>
      %mul3A_205 = arith.constant 4 : i32
      %mul3A_206 = arith.muli %mul3A_205, %scan3A_105 : i32
      %add3A_207 = arith.constant 3 : i32
      %add3A_208 = arith.addi %mul3A_206, %add3A_207 : i32
      %mul3A_209 = arith.constant 16 : i32
      %mul3A_210 = arith.muli %add3A_208, %mul3A_209 : i32
      %get3A_211 = arith.index_cast %mul3A_210 : i32 to index
      %get3A_212 = tpu.vector_load %arg5[%get3A_211] {strides = array<i32>} : memref<65536xf32, #tpu.memory_space<vmem>>, vector<16xf32>,
      %max3A_213 = arith.maximumf %max3A_149, %get3A_212 : vector<16xf32>
      %bitcast_convert_type3A_214 = tpu.bitcast %get3A_212 : vector<16xf32> -> vector<16xi32>
      %bitcast_convert_type3A_215 = tpu.bitcast %bitcast_convert_type3A_214 : vector<16xi32> -> vector<16xi32>
      %lt3A_216 = arith.constant 0 : i32
      %lt3A_217 = vector.broadcast %lt3A_216 : i32 to vector<16xi32>
      %lt3A_218 = arith.cmpi slt, %bitcast_convert_type3A_214, %lt3A_217 : vector<16xi32>
      %jit3A_219 = arith.constant -1 : i32
      %jit3A_220 = arith.constant -2147483648 : i32
      %broadcast_in_dim3A_221 = vector.broadcast %jit3A_219 : i32 to vector<16xi32>
      %broadcast_in_dim3A_222 = vector.broadcast %jit3A_220 : i32 to vector<16xi32>
      %select_n3A_223 = arith.select %lt3A_218, %broadcast_in_dim3A_221, %broadcast_in_dim3A_222 : vector<16xi1>, vector<16xi32>
      %xor3A_224 = arith.xori %bitcast_convert_type3A_215, %select_n3A_223 : vector<16xi32>
      %bitcast_convert_type3A_225 = tpu.bitcast %xor3A_224 : vector<16xi32> -> vector<16xf32>
      %swap3A_226 = arith.index_cast %mul3A_210 : i32 to index
      %swap3A_227 = tpu.vector_load %arg5[%swap3A_226] {strides = array<i32>} : memref<65536xf32, #tpu.memory_space<vmem>>, vector<16xf32>,
      tpu.vector_store %arg5[%swap3A_226], %bitcast_convert_type3A_225 {strides = array<i32>} : memref<65536xf32, #tpu.memory_space<vmem>>, vector<16xf32>,
      %ge3A_228 = arith.constant -2147483648 : i32
      %ge3A_229 = vector.broadcast %ge3A_228 : i32 to vector<16xi32>
      %ge3A_230 = arith.cmpi uge, %xor3A_224, %ge3A_229 : vector<16xi32>
      %jit3A_231 = arith.constant 1 : i32
      %jit3A_232 = arith.constant 0 : i32
      %broadcast_in_dim3A_233 = vector.broadcast %jit3A_231 : i32 to vector<16xi32>
      %broadcast_in_dim3A_234 = vector.broadcast %jit3A_232 : i32 to vector<16xi32>
      %select_n3A_235 = arith.select %ge3A_230, %broadcast_in_dim3A_233, %broadcast_in_dim3A_234 : vector<16xi1>, vector<16xi32>
      %add3A_236 = arith.addi %add3A_172, %select_n3A_235 : vector<16xi32>
      scf.yield %max3A_181, %max3A_213, %add3A_204, %add3A_236 : vector<16xf32>, vector<16xf32>, vector<16xi32>, vector<16xi32>
    }
    %scan3A_13 = arith.constant 1024 : i32
    %max3A = arith.maximumf %scan3A_12#0, %scan3A_12#1 : vector<16xf32>
    %swap3A = arith.constant 0 : index
    %swap3A_14 = tpu.vector_load %arg6[%swap3A] {strides = array<i32>} : memref<16xf32, #tpu.memory_space<vmem>>, vector<16xf32>,
    tpu.vector_store %arg6[%swap3A], %max3A {strides = array<i32>} : memref<16xf32, #tpu.memory_space<vmem>>, vector<16xf32>,
    %add3A = arith.addi %scan3A_12#2, %scan3A_12#3 : vector<16xi32>
    %reduce_sum3A = arith.constant true
    %reduce_sum3A_15 = vector.broadcast %reduce_sum3A : i1 to vector<16xi1>
    %reduce_sum3A_16 = tpu.scan <sum>, %add3A masked %reduce_sum3A_15 : vector<16xi32>, vector<16xi1> -> vector<16xi32>
    %reduce_sum3A_17 = vector.extract %reduce_sum3A_16[15] : i32 from vector<16xi32>
    %broadcast_in_dim3A_18 = vector.broadcast %reduce_sum3A_17 : i32 to vector<16xi32>
    %swap3A_19 = arith.constant 0 : index
    %swap3A_20 = tpu.vector_load %arg7[%swap3A_19] {strides = array<i32>} : memref<16xi32, #tpu.memory_space<vmem>>, vector<16xi32>,
    tpu.vector_store %arg7[%swap3A_19], %broadcast_in_dim3A_18 {strides = array<i32>} : memref<16xi32, #tpu.memory_space<vmem>>, vector<16xi32>,
    "tpu.region"() ({
      %run_scoped3A = tpu.sem_alloc : memref<!tpu.dma_semaphore, #tpu.memory_space<semaphore_mem>>
      %dma_start3A = arith.constant 0 : i32
      %dma_start3A_105 = tpu.memref_slice %arg11[%arg1, %dma_start3A] : memref<16x16xf32, #tpu.memory_space<vmem_shared>> -> memref<1x16xf32, #tpu.memory_space<vmem_shared>>
      %dma_start3A_106 = tpu.memref_squeeze %dma_start3A_105 : memref<1x16xf32, #tpu.memory_space<vmem_shared>> -> memref<16xf32, #tpu.memory_space<vmem_shared>>
      %dma_start3A_107 = arith.constant 0 : i32
      %dma_start3A_108 = tpu.memref_slice %arg11[%arg1, %dma_start3A_107] : memref<16x16xf32, #tpu.memory_space<vmem_shared>> -> memref<1x16xf32, #tpu.memory_space<vmem_shared>>
      %dma_start3A_109 = tpu.memref_squeeze %dma_start3A_108 : memref<1x16xf32, #tpu.memory_space<vmem_shared>> -> memref<16xf32, #tpu.memory_space<vmem_shared>>
      tpu.enqueue_dma source(%arg6 : memref<16xf32, #tpu.memory_space<vmem>>) target(%dma_start3A_109 : memref<16xf32, #tpu.memory_space<vmem_shared>>) target_semaphore(%run_scoped3A : memref<!tpu.dma_semaphore, #tpu.memory_space<semaphore_mem>>)
      %dma_wait3A = arith.constant 0 : i32
      %dma_wait3A_110 = tpu.memref_slice %arg11[%arg1, %dma_wait3A] : memref<16x16xf32, #tpu.memory_space<vmem_shared>> -> memref<1x16xf32, #tpu.memory_space<vmem_shared>>
      %dma_wait3A_111 = tpu.memref_squeeze %dma_wait3A_110 : memref<1x16xf32, #tpu.memory_space<vmem_shared>> -> memref<16xf32, #tpu.memory_space<vmem_shared>>
      %dma_wait3A_112 = arith.constant 0 : i32
      %dma_wait3A_113 = tpu.memref_slice %arg11[%arg1, %dma_wait3A_112] : memref<16x16xf32, #tpu.memory_space<vmem_shared>> -> memref<1x16xf32, #tpu.memory_space<vmem_shared>>
      %dma_wait3A_114 = tpu.memref_squeeze %dma_wait3A_113 : memref<1x16xf32, #tpu.memory_space<vmem_shared>> -> memref<16xf32, #tpu.memory_space<vmem_shared>>
      tpu.wait_dma2 semaphore(%run_scoped3A : memref<!tpu.dma_semaphore, #tpu.memory_space<semaphore_mem>>) src(%arg6 : memref<16xf32, #tpu.memory_space<vmem>>) dst(%dma_wait3A_114 : memref<16xf32, #tpu.memory_space<vmem_shared>>)
      tpu.yield
    }) : () -> ()
    "tpu.region"() ({
      %run_scoped3A = tpu.sem_alloc : memref<!tpu.dma_semaphore, #tpu.memory_space<semaphore_mem>>
      %dma_start3A = arith.constant 0 : i32
      %dma_start3A_105 = tpu.memref_slice %arg12[%arg1, %dma_start3A] : memref<16x16xi32, #tpu.memory_space<vmem_shared>> -> memref<1x16xi32, #tpu.memory_space<vmem_shared>>
      %dma_start3A_106 = tpu.memref_squeeze %dma_start3A_105 : memref<1x16xi32, #tpu.memory_space<vmem_shared>> -> memref<16xi32, #tpu.memory_space<vmem_shared>>
      %dma_start3A_107 = arith.constant 0 : i32
      %dma_start3A_108 = tpu.memref_slice %arg12[%arg1, %dma_start3A_107] : memref<16x16xi32, #tpu.memory_space<vmem_shared>> -> memref<1x16xi32, #tpu.memory_space<vmem_shared>>
      %dma_start3A_109 = tpu.memref_squeeze %dma_start3A_108 : memref<1x16xi32, #tpu.memory_space<vmem_shared>> -> memref<16xi32, #tpu.memory_space<vmem_shared>>
      tpu.enqueue_dma source(%arg7 : memref<16xi32, #tpu.memory_space<vmem>>) target(%dma_start3A_109 : memref<16xi32, #tpu.memory_space<vmem_shared>>) target_semaphore(%run_scoped3A : memref<!tpu.dma_semaphore, #tpu.memory_space<semaphore_mem>>)
      %dma_wait3A = arith.constant 0 : i32
      %dma_wait3A_110 = tpu.memref_slice %arg12[%arg1, %dma_wait3A] : memref<16x16xi32, #tpu.memory_space<vmem_shared>> -> memref<1x16xi32, #tpu.memory_space<vmem_shared>>
      %dma_wait3A_111 = tpu.memref_squeeze %dma_wait3A_110 : memref<1x16xi32, #tpu.memory_space<vmem_shared>> -> memref<16xi32, #tpu.memory_space<vmem_shared>>
      %dma_wait3A_112 = arith.constant 0 : i32
      %dma_wait3A_113 = tpu.memref_slice %arg12[%arg1, %dma_wait3A_112] : memref<16x16xi32, #tpu.memory_space<vmem_shared>> -> memref<1x16xi32, #tpu.memory_space<vmem_shared>>
      %dma_wait3A_114 = tpu.memref_squeeze %dma_wait3A_113 : memref<1x16xi32, #tpu.memory_space<vmem_shared>> -> memref<16xi32, #tpu.memory_space<vmem_shared>>
      tpu.wait_dma2 semaphore(%run_scoped3A : memref<!tpu.dma_semaphore, #tpu.memory_space<semaphore_mem>>) src(%arg7 : memref<16xi32, #tpu.memory_space<vmem>>) dst(%dma_wait3A_114 : memref<16xi32, #tpu.memory_space<vmem_shared>>)
      tpu.yield
    }) : () -> ()
    %barrier3A = arith.constant 0 : index
    tpu.barrier barrier_id(%barrier3A)
    "tpu.region"() ({
      %run_scoped3A = tpu.sem_alloc : memref<!tpu.dma_semaphore, #tpu.memory_space<semaphore_mem>>
      tpu.enqueue_dma source(%arg11 : memref<16x16xf32, #tpu.memory_space<vmem_shared>>) target(%arg9 : memref<16x16xf32, #tpu.memory_space<vmem>>) target_semaphore(%run_scoped3A : memref<!tpu.dma_semaphore, #tpu.memory_space<semaphore_mem>>)
      tpu.wait_dma2 semaphore(%run_scoped3A : memref<!tpu.dma_semaphore, #tpu.memory_space<semaphore_mem>>) src(%arg11 : memref<16x16xf32, #tpu.memory_space<vmem_shared>>) dst(%arg9 : memref<16x16xf32, #tpu.memory_space<vmem>>)
      tpu.yield
    }) : () -> ()
    "tpu.region"() ({
      %run_scoped3A = tpu.sem_alloc : memref<!tpu.dma_semaphore, #tpu.memory_space<semaphore_mem>>
      tpu.enqueue_dma source(%arg12 : memref<16x16xi32, #tpu.memory_space<vmem_shared>>) target(%arg10 : memref<16x16xi32, #tpu.memory_space<vmem>>) target_semaphore(%run_scoped3A : memref<!tpu.dma_semaphore, #tpu.memory_space<semaphore_mem>>)
      tpu.wait_dma2 semaphore(%run_scoped3A : memref<!tpu.dma_semaphore, #tpu.memory_space<semaphore_mem>>) src(%arg12 : memref<16x16xi32, #tpu.memory_space<vmem_shared>>) dst(%arg10 : memref<16x16xi32, #tpu.memory_space<vmem>>)
      tpu.yield
    }) : () -> ()
    %scan3A_21 = arith.constant 0 : i32
    %scan3A_22 = arith.constant 16 : i32
    %scan3A_23 = arith.addi %scan3A_21, %scan3A_22 : i32
    %scan3A_24 = arith.constant 1 : i32
    %scan3A_25:2 = scf.for %scan3A_105 = %scan3A_21 to %scan3A_23 step %scan3A_24 iter_args(%scan3A_106 = %broadcast_in_dim3A_8, %scan3A_107 = %broadcast_in_dim3A_2) -> (vector<16xf32>, vector<16xi32>)  : i32 {
      %get3A_108 = arith.index_cast %scan3A_105 : i32 to index
      %get3A_109 = arith.constant 0 : index
      %get3A_110 = tpu.vector_load %arg9[%get3A_108, %get3A_109] {strides = array<i32>} : memref<16x16xf32, #tpu.memory_space<vmem>>, vector<16xf32>,
      %max3A_111 = arith.maximumf %scan3A_106, %get3A_110 : vector<16xf32>
      %get3A_112 = arith.index_cast %scan3A_105 : i32 to index
      %get3A_113 = arith.constant 0 : index
      %get3A_114 = tpu.vector_load %arg10[%get3A_112, %get3A_113] {strides = array<i32>} : memref<16x16xi32, #tpu.memory_space<vmem>>, vector<16xi32>,
      %add3A_115 = arith.addi %scan3A_107, %get3A_114 : vector<16xi32>
      scf.yield %max3A_111, %add3A_115 : vector<16xf32>, vector<16xi32>
    }
    %scan3A_26 = arith.constant 16 : i32
    %reduce_max3A = arith.constant true
    %reduce_max3A_27 = vector.broadcast %reduce_max3A : i1 to vector<16xi1>
    %reduce_max3A_28 = tpu.scan <max>, %scan3A_25#0 masked %reduce_max3A_27 : vector<16xf32>, vector<16xi1> -> vector<16xf32>
    %reduce_max3A_29 = vector.extract %reduce_max3A_28[15] : f32 from vector<16xf32>
    %broadcast_in_dim3A_30 = vector.broadcast %reduce_max3A_29 : f32 to vector<16xf32>
    %reduce_max3A_31 = arith.constant true
    %reduce_max3A_32 = vector.broadcast %reduce_max3A_31 : i1 to vector<16xi1>
    %reduce_max3A_33 = arith.constant -2147483648 : i32
    %reduce_max3A_34 = vector.broadcast %reduce_max3A_33 : i32 to vector<16xi32>
    %reduce_max3A_35 = arith.xori %scan3A_25#1, %reduce_max3A_34 : vector<16xi32>
    %reduce_max3A_36 = tpu.scan <max>, %reduce_max3A_35 masked %reduce_max3A_32 : vector<16xi32>, vector<16xi1> -> vector<16xi32>
    %reduce_max3A_37 = arith.xori %reduce_max3A_36, %reduce_max3A_34 : vector<16xi32>
    %reduce_max3A_38 = vector.extract %reduce_max3A_37[15] : i32 from vector<16xi32>
    %ge3A = arith.constant 524288 : i32
    %ge3A_39 = arith.cmpi sge, %reduce_max3A_38, %ge3A : i32
    %jit3A = arith.constant -2147483648 : i32
    %jit3A_40 = arith.constant 0 : i32
    %select_n3A = arith.select %ge3A_39, %jit3A, %jit3A_40 : i32
    %scan3A_41 = arith.constant 0 : i32
    %scan3A_42 = arith.constant 31 : i32
    %scan3A_43 = arith.addi %scan3A_41, %scan3A_42 : i32
    %scan3A_44 = arith.constant 1 : i32
    %scan3A_45 = scf.for %scan3A_105 = %scan3A_41 to %scan3A_43 step %scan3A_44 iter_args(%scan3A_106 = %select_n3A) -> (i32)  : i32 {
      %sub3A_107 = arith.constant 30 : i32
      %sub3A_108 = arith.subi %sub3A_107, %scan3A_105 : i32
      %shift_left3A = arith.constant 1 : i32
      %shift_left3A_109 = arith.shli %shift_left3A, %sub3A_108 : i32
      %or3A = arith.ori %scan3A_106, %shift_left3A_109 : i32
      %broadcast_in_dim3A_110 = vector.broadcast %or3A : i32 to vector<16xi32>
      %scan3A_111 = arith.constant 0 : i32
      %scan3A_112 = arith.constant 512 : i32
      %scan3A_113 = arith.addi %scan3A_111, %scan3A_112 : i32
      %scan3A_114 = arith.constant 1 : i32
      %scan3A_115:2 = scf.for %scan3A_146 = %scan3A_111 to %scan3A_113 step %scan3A_114 iter_args(%scan3A_147 = %broadcast_in_dim3A_2, %scan3A_148 = %broadcast_in_dim3A_2) -> (vector<16xi32>, vector<16xi32>)  : i32 {
        %mul3A_149 = arith.constant 8 : i32
        %mul3A_150 = arith.muli %mul3A_149, %scan3A_146 : i32
        %add3A_151 = arith.constant 0 : i32
        %add3A_152 = arith.addi %mul3A_150, %add3A_151 : i32
        %mul3A_153 = arith.constant 16 : i32
        %mul3A_154 = arith.muli %add3A_152, %mul3A_153 : i32
        %get3A_155 = arith.index_cast %mul3A_154 : i32 to index
        %get3A_156 = tpu.vector_load %arg5[%get3A_155] {strides = array<i32>} : memref<65536xf32, #tpu.memory_space<vmem>>, vector<16xf32>,
        %bitcast_convert_type3A_157 = tpu.bitcast %get3A_156 : vector<16xf32> -> vector<16xi32>
        %ge3A_158 = arith.cmpi uge, %bitcast_convert_type3A_157, %broadcast_in_dim3A_110 : vector<16xi32>
        %jit3A_159 = arith.constant 1 : i32
        %jit3A_160 = arith.constant 0 : i32
        %broadcast_in_dim3A_161 = vector.broadcast %jit3A_159 : i32 to vector<16xi32>
        %broadcast_in_dim3A_162 = vector.broadcast %jit3A_160 : i32 to vector<16xi32>
        %select_n3A_163 = arith.select %ge3A_158, %broadcast_in_dim3A_161, %broadcast_in_dim3A_162 : vector<16xi1>, vector<16xi32>
        %add3A_164 = arith.addi %scan3A_147, %select_n3A_163 : vector<16xi32>
        %mul3A_165 = arith.constant 8 : i32
        %mul3A_166 = arith.muli %mul3A_165, %scan3A_146 : i32
        %add3A_167 = arith.constant 1 : i32
        %add3A_168 = arith.addi %mul3A_166, %add3A_167 : i32
        %mul3A_169 = arith.constant 16 : i32
        %mul3A_170 = arith.muli %add3A_168, %mul3A_169 : i32
        %get3A_171 = arith.index_cast %mul3A_170 : i32 to index
        %get3A_172 = tpu.vector_load %arg5[%get3A_171] {strides = array<i32>} : memref<65536xf32, #tpu.memory_space<vmem>>, vector<16xf32>,
        %bitcast_convert_type3A_173 = tpu.bitcast %get3A_172 : vector<16xf32> -> vector<16xi32>
        %ge3A_174 = arith.cmpi uge, %bitcast_convert_type3A_173, %broadcast_in_dim3A_110 : vector<16xi32>
        %jit3A_175 = arith.constant 1 : i32
        %jit3A_176 = arith.constant 0 : i32
        %broadcast_in_dim3A_177 = vector.broadcast %jit3A_175 : i32 to vector<16xi32>
        %broadcast_in_dim3A_178 = vector.broadcast %jit3A_176 : i32 to vector<16xi32>
        %select_n3A_179 = arith.select %ge3A_174, %broadcast_in_dim3A_177, %broadcast_in_dim3A_178 : vector<16xi1>, vector<16xi32>
        %add3A_180 = arith.addi %scan3A_148, %select_n3A_179 : vector<16xi32>
        %mul3A_181 = arith.constant 8 : i32
        %mul3A_182 = arith.muli %mul3A_181, %scan3A_146 : i32
        %add3A_183 = arith.constant 2 : i32
        %add3A_184 = arith.addi %mul3A_182, %add3A_183 : i32
        %mul3A_185 = arith.constant 16 : i32
        %mul3A_186 = arith.muli %add3A_184, %mul3A_185 : i32
        %get3A_187 = arith.index_cast %mul3A_186 : i32 to index
        %get3A_188 = tpu.vector_load %arg5[%get3A_187] {strides = array<i32>} : memref<65536xf32, #tpu.memory_space<vmem>>, vector<16xf32>,
        %bitcast_convert_type3A_189 = tpu.bitcast %get3A_188 : vector<16xf32> -> vector<16xi32>
        %ge3A_190 = arith.cmpi uge, %bitcast_convert_type3A_189, %broadcast_in_dim3A_110 : vector<16xi32>
        %jit3A_191 = arith.constant 1 : i32
        %jit3A_192 = arith.constant 0 : i32
        %broadcast_in_dim3A_193 = vector.broadcast %jit3A_191 : i32 to vector<16xi32>
        %broadcast_in_dim3A_194 = vector.broadcast %jit3A_192 : i32 to vector<16xi32>
        %select_n3A_195 = arith.select %ge3A_190, %broadcast_in_dim3A_193, %broadcast_in_dim3A_194 : vector<16xi1>, vector<16xi32>
        %add3A_196 = arith.addi %add3A_164, %select_n3A_195 : vector<16xi32>
        %mul3A_197 = arith.constant 8 : i32
        %mul3A_198 = arith.muli %mul3A_197, %scan3A_146 : i32
        %add3A_199 = arith.constant 3 : i32
        %add3A_200 = arith.addi %mul3A_198, %add3A_199 : i32
        %mul3A_201 = arith.constant 16 : i32
        %mul3A_202 = arith.muli %add3A_200, %mul3A_201 : i32
        %get3A_203 = arith.index_cast %mul3A_202 : i32 to index
        %get3A_204 = tpu.vector_load %arg5[%get3A_203] {strides = array<i32>} : memref<65536xf32, #tpu.memory_space<vmem>>, vector<16xf32>,
        %bitcast_convert_type3A_205 = tpu.bitcast %get3A_204 : vector<16xf32> -> vector<16xi32>
        %ge3A_206 = arith.cmpi uge, %bitcast_convert_type3A_205, %broadcast_in_dim3A_110 : vector<16xi32>
        %jit3A_207 = arith.constant 1 : i32
        %jit3A_208 = arith.constant 0 : i32
        %broadcast_in_dim3A_209 = vector.broadcast %jit3A_207 : i32 to vector<16xi32>
        %broadcast_in_dim3A_210 = vector.broadcast %jit3A_208 : i32 to vector<16xi32>
        %select_n3A_211 = arith.select %ge3A_206, %broadcast_in_dim3A_209, %broadcast_in_dim3A_210 : vector<16xi1>, vector<16xi32>
        %add3A_212 = arith.addi %add3A_180, %select_n3A_211 : vector<16xi32>
        %mul3A_213 = arith.constant 8 : i32
        %mul3A_214 = arith.muli %mul3A_213, %scan3A_146 : i32
        %add3A_215 = arith.constant 4 : i32
        %add3A_216 = arith.addi %mul3A_214, %add3A_215 : i32
        %mul3A_217 = arith.constant 16 : i32
        %mul3A_218 = arith.muli %add3A_216, %mul3A_217 : i32
        %get3A_219 = arith.index_cast %mul3A_218 : i32 to index
        %get3A_220 = tpu.vector_load %arg5[%get3A_219] {strides = array<i32>} : memref<65536xf32, #tpu.memory_space<vmem>>, vector<16xf32>,
        %bitcast_convert_type3A_221 = tpu.bitcast %get3A_220 : vector<16xf32> -> vector<16xi32>
        %ge3A_222 = arith.cmpi uge, %bitcast_convert_type3A_221, %broadcast_in_dim3A_110 : vector<16xi32>
        %jit3A_223 = arith.constant 1 : i32
        %jit3A_224 = arith.constant 0 : i32
        %broadcast_in_dim3A_225 = vector.broadcast %jit3A_223 : i32 to vector<16xi32>
        %broadcast_in_dim3A_226 = vector.broadcast %jit3A_224 : i32 to vector<16xi32>
        %select_n3A_227 = arith.select %ge3A_222, %broadcast_in_dim3A_225, %broadcast_in_dim3A_226 : vector<16xi1>, vector<16xi32>
        %add3A_228 = arith.addi %add3A_196, %select_n3A_227 : vector<16xi32>
        %mul3A_229 = arith.constant 8 : i32
        %mul3A_230 = arith.muli %mul3A_229, %scan3A_146 : i32
        %add3A_231 = arith.constant 5 : i32
        %add3A_232 = arith.addi %mul3A_230, %add3A_231 : i32
        %mul3A_233 = arith.constant 16 : i32
        %mul3A_234 = arith.muli %add3A_232, %mul3A_233 : i32
        %get3A_235 = arith.index_cast %mul3A_234 : i32 to index
        %get3A_236 = tpu.vector_load %arg5[%get3A_235] {strides = array<i32>} : memref<65536xf32, #tpu.memory_space<vmem>>, vector<16xf32>,
        %bitcast_convert_type3A_237 = tpu.bitcast %get3A_236 : vector<16xf32> -> vector<16xi32>
        %ge3A_238 = arith.cmpi uge, %bitcast_convert_type3A_237, %broadcast_in_dim3A_110 : vector<16xi32>
        %jit3A_239 = arith.constant 1 : i32
        %jit3A_240 = arith.constant 0 : i32
        %broadcast_in_dim3A_241 = vector.broadcast %jit3A_239 : i32 to vector<16xi32>
        %broadcast_in_dim3A_242 = vector.broadcast %jit3A_240 : i32 to vector<16xi32>
        %select_n3A_243 = arith.select %ge3A_238, %broadcast_in_dim3A_241, %broadcast_in_dim3A_242 : vector<16xi1>, vector<16xi32>
        %add3A_244 = arith.addi %add3A_212, %select_n3A_243 : vector<16xi32>
        %mul3A_245 = arith.constant 8 : i32
        %mul3A_246 = arith.muli %mul3A_245, %scan3A_146 : i32
        %add3A_247 = arith.constant 6 : i32
        %add3A_248 = arith.addi %mul3A_246, %add3A_247 : i32
        %mul3A_249 = arith.constant 16 : i32
        %mul3A_250 = arith.muli %add3A_248, %mul3A_249 : i32
        %get3A_251 = arith.index_cast %mul3A_250 : i32 to index
        %get3A_252 = tpu.vector_load %arg5[%get3A_251] {strides = array<i32>} : memref<65536xf32, #tpu.memory_space<vmem>>, vector<16xf32>,
        %bitcast_convert_type3A_253 = tpu.bitcast %get3A_252 : vector<16xf32> -> vector<16xi32>
        %ge3A_254 = arith.cmpi uge, %bitcast_convert_type3A_253, %broadcast_in_dim3A_110 : vector<16xi32>
        %jit3A_255 = arith.constant 1 : i32
        %jit3A_256 = arith.constant 0 : i32
        %broadcast_in_dim3A_257 = vector.broadcast %jit3A_255 : i32 to vector<16xi32>
        %broadcast_in_dim3A_258 = vector.broadcast %jit3A_256 : i32 to vector<16xi32>
        %select_n3A_259 = arith.select %ge3A_254, %broadcast_in_dim3A_257, %broadcast_in_dim3A_258 : vector<16xi1>, vector<16xi32>
        %add3A_260 = arith.addi %add3A_228, %select_n3A_259 : vector<16xi32>
        %mul3A_261 = arith.constant 8 : i32
        %mul3A_262 = arith.muli %mul3A_261, %scan3A_146 : i32
        %add3A_263 = arith.constant 7 : i32
        %add3A_264 = arith.addi %mul3A_262, %add3A_263 : i32
        %mul3A_265 = arith.constant 16 : i32
        %mul3A_266 = arith.muli %add3A_264, %mul3A_265 : i32
        %get3A_267 = arith.index_cast %mul3A_266 : i32 to index
        %get3A_268 = tpu.vector_load %arg5[%get3A_267] {strides = array<i32>} : memref<65536xf32, #tpu.memory_space<vmem>>, vector<16xf32>,
        %bitcast_convert_type3A_269 = tpu.bitcast %get3A_268 : vector<16xf32> -> vector<16xi32>
        %ge3A_270 = arith.cmpi uge, %bitcast_convert_type3A_269, %broadcast_in_dim3A_110 : vector<16xi32>
        %jit3A_271 = arith.constant 1 : i32
        %jit3A_272 = arith.constant 0 : i32
        %broadcast_in_dim3A_273 = vector.broadcast %jit3A_271 : i32 to vector<16xi32>
        %broadcast_in_dim3A_274 = vector.broadcast %jit3A_272 : i32 to vector<16xi32>
        %select_n3A_275 = arith.select %ge3A_270, %broadcast_in_dim3A_273, %broadcast_in_dim3A_274 : vector<16xi1>, vector<16xi32>
        %add3A_276 = arith.addi %add3A_244, %select_n3A_275 : vector<16xi32>
        scf.yield %add3A_260, %add3A_276 : vector<16xi32>, vector<16xi32>
      }
      %scan3A_116 = arith.constant 512 : i32
      %add3A_117 = arith.addi %scan3A_115#0, %scan3A_115#1 : vector<16xi32>
      %reduce_sum3A_118 = arith.constant true
      %reduce_sum3A_119 = vector.broadcast %reduce_sum3A_118 : i1 to vector<16xi1>
      %reduce_sum3A_120 = tpu.scan <sum>, %add3A_117 masked %reduce_sum3A_119 : vector<16xi32>, vector<16xi1> -> vector<16xi32>
      %reduce_sum3A_121 = vector.extract %reduce_sum3A_120[15] : i32 from vector<16xi32>
      %broadcast_in_dim3A_122 = vector.broadcast %reduce_sum3A_121 : i32 to vector<16xi32>
      %swap3A_123 = arith.constant 0 : index
      %swap3A_124 = tpu.vector_load %arg7[%swap3A_123] {strides = array<i32>} : memref<16xi32, #tpu.memory_space<vmem>>, vector<16xi32>,
      tpu.vector_store %arg7[%swap3A_123], %broadcast_in_dim3A_122 {strides = array<i32>} : memref<16xi32, #tpu.memory_space<vmem>>, vector<16xi32>,
      %mul3A_125 = arith.constant 16 : i32
      %mul3A_126 = arith.muli %scan3A_105, %mul3A_125 : i32
      %iota3A_127 = tpu.iota {dimensions = array<i32: 0>} : vector<16xi32>
      %add3A_128 = vector.broadcast %mul3A_126 : i32 to vector<16xi32>
      %add3A_129 = arith.addi %add3A_128, %iota3A_127 : vector<16xi32>
      "tpu.region"() ({
        %run_scoped3A = tpu.sem_alloc : memref<!tpu.dma_semaphore, #tpu.memory_space<semaphore_mem>>
        %dma_start3A = arith.constant 0 : i32
        %dma_start3A_146 = tpu.memref_slice %arg13[%dma_start3A] : memref<496xi32, #tpu.memory_space<vmem_shared>> -> memref<496xi32, #tpu.memory_space<vmem_shared>>
        tpu.enqueue_indirect_dma source(%arg7 : memref<16xi32, #tpu.memory_space<vmem>>) target(%dma_start3A_146 : memref<496xi32, #tpu.memory_space<vmem_shared>>) offsets(%add3A_129 : vector<16xi32>) semaphore(%run_scoped3A : memref<!tpu.dma_semaphore, #tpu.memory_space<semaphore_mem>>) {add = true}
        %dma_wait3A = arith.constant 0 : i32
        %dma_wait3A_147 = tpu.memref_slice %arg13[%dma_wait3A] : memref<496xi32, #tpu.memory_space<vmem_shared>> -> memref<496xi32, #tpu.memory_space<vmem_shared>>
        tpu.wait_indirect_dma semaphore(%run_scoped3A : memref<!tpu.dma_semaphore, #tpu.memory_space<semaphore_mem>>) src(%arg7 : memref<16xi32, #tpu.memory_space<vmem>>) dst(%dma_wait3A_147 : memref<496xi32, #tpu.memory_space<vmem_shared>>)
        tpu.yield
      }) : () -> ()
      %barrier3A_130 = arith.constant 0 : index
      tpu.barrier barrier_id(%barrier3A_130)
      %mul3A_131 = arith.constant 16 : i32
      %mul3A_132 = arith.muli %scan3A_105, %mul3A_131 : i32
      "tpu.region"() ({
        %run_scoped3A = tpu.sem_alloc : memref<!tpu.dma_semaphore, #tpu.memory_space<semaphore_mem>>
        %dma_start3A = tpu.memref_slice %arg13[%mul3A_132] : memref<496xi32, #tpu.memory_space<vmem_shared>> -> memref<16xi32, #tpu.memory_space<vmem_shared>>
        %dma_start3A_146 = tpu.memref_slice %arg13[%mul3A_132] : memref<496xi32, #tpu.memory_space<vmem_shared>> -> memref<16xi32, #tpu.memory_space<vmem_shared>>
        tpu.enqueue_dma source(%dma_start3A_146 : memref<16xi32, #tpu.memory_space<vmem_shared>>) target(%arg7 : memref<16xi32, #tpu.memory_space<vmem>>) target_semaphore(%run_scoped3A : memref<!tpu.dma_semaphore, #tpu.memory_space<semaphore_mem>>)
        %dma_wait3A = tpu.memref_slice %arg13[%mul3A_132] : memref<496xi32, #tpu.memory_space<vmem_shared>> -> memref<16xi32, #tpu.memory_space<vmem_shared>>
        %dma_wait3A_147 = tpu.memref_slice %arg13[%mul3A_132] : memref<496xi32, #tpu.memory_space<vmem_shared>> -> memref<16xi32, #tpu.memory_space<vmem_shared>>
        tpu.wait_dma2 semaphore(%run_scoped3A : memref<!tpu.dma_semaphore, #tpu.memory_space<semaphore_mem>>) src(%dma_wait3A_147 : memref<16xi32, #tpu.memory_space<vmem_shared>>) dst(%arg7 : memref<16xi32, #tpu.memory_space<vmem>>)
        tpu.yield
      }) : () -> ()
      %get3A_133 = arith.constant 0 : index
      %get3A_134 = tpu.vector_load %arg7[%get3A_133] {strides = array<i32>} : memref<16xi32, #tpu.memory_space<vmem>>, vector<16xi32>,
      %reduce_max3A_135 = arith.constant true
      %reduce_max3A_136 = vector.broadcast %reduce_max3A_135 : i1 to vector<16xi1>
      %reduce_max3A_137 = arith.constant -2147483648 : i32
      %reduce_max3A_138 = vector.broadcast %reduce_max3A_137 : i32 to vector<16xi32>
      %reduce_max3A_139 = arith.xori %get3A_134, %reduce_max3A_138 : vector<16xi32>
      %reduce_max3A_140 = tpu.scan <max>, %reduce_max3A_139 masked %reduce_max3A_136 : vector<16xi32>, vector<16xi1> -> vector<16xi32>
      %reduce_max3A_141 = arith.xori %reduce_max3A_140, %reduce_max3A_138 : vector<16xi32>
      %reduce_max3A_142 = vector.extract %reduce_max3A_141[15] : i32 from vector<16xi32>
      %ge3A_143 = arith.constant 524288 : i32
      %ge3A_144 = arith.cmpi sge, %reduce_max3A_142, %ge3A_143 : i32
      %select_n3A_145 = arith.select %ge3A_144, %or3A, %scan3A_106 : i32
      scf.yield %select_n3A_145 : i32
    }
    %scan3A_46 = arith.constant 31 : i32
    %broadcast_in_dim3A_47 = vector.broadcast %scan3A_45 : i32 to vector<16xi32>
    %scan3A_48 = arith.constant 0 : i32
    %scan3A_49 = arith.constant 1024 : i32
    %scan3A_50 = arith.addi %scan3A_48, %scan3A_49 : i32
    %scan3A_51 = arith.constant 1 : i32
    %scan3A_52:2 = scf.for %scan3A_105 = %scan3A_48 to %scan3A_50 step %scan3A_51 iter_args(%scan3A_106 = %broadcast_in_dim3A_2, %scan3A_107 = %broadcast_in_dim3A_4) -> (vector<16xi32>, vector<16xf32>)  : i32 {
      %mul3A_108 = arith.constant 4 : i32
      %mul3A_109 = arith.muli %mul3A_108, %scan3A_105 : i32
      %add3A_110 = arith.constant 0 : i32
      %add3A_111 = arith.addi %mul3A_109, %add3A_110 : i32
      %mul3A_112 = arith.constant 16 : i32
      %mul3A_113 = arith.muli %add3A_111, %mul3A_112 : i32
      %get3A_114 = arith.index_cast %mul3A_113 : i32 to index
      %get3A_115 = tpu.vector_load %arg5[%get3A_114] {strides = array<i32>} : memref<65536xf32, #tpu.memory_space<vmem>>, vector<16xf32>,
      %bitcast_convert_type3A_116 = tpu.bitcast %get3A_115 : vector<16xf32> -> vector<16xi32>
      %gt3A = arith.cmpi ugt, %bitcast_convert_type3A_116, %broadcast_in_dim3A_47 : vector<16xi32>
      %jit3A_117 = arith.constant 1 : i32
      %jit3A_118 = arith.constant 0 : i32
      %broadcast_in_dim3A_119 = vector.broadcast %jit3A_117 : i32 to vector<16xi32>
      %broadcast_in_dim3A_120 = vector.broadcast %jit3A_118 : i32 to vector<16xi32>
      %select_n3A_121 = arith.select %gt3A, %broadcast_in_dim3A_119, %broadcast_in_dim3A_120 : vector<16xi1>, vector<16xi32>
      %add3A_122 = arith.addi %scan3A_106, %select_n3A_121 : vector<16xi32>
      %ge3A_123 = arith.constant -2147483648 : i32
      %ge3A_124 = vector.broadcast %ge3A_123 : i32 to vector<16xi32>
      %ge3A_125 = arith.cmpi uge, %bitcast_convert_type3A_116, %ge3A_124 : vector<16xi32>
      %jit3A_126 = arith.constant -2147483648 : i32
      %jit3A_127 = arith.constant -1 : i32
      %broadcast_in_dim3A_128 = vector.broadcast %jit3A_126 : i32 to vector<16xi32>
      %broadcast_in_dim3A_129 = vector.broadcast %jit3A_127 : i32 to vector<16xi32>
      %select_n3A_130 = arith.select %ge3A_125, %broadcast_in_dim3A_128, %broadcast_in_dim3A_129 : vector<16xi1>, vector<16xi32>
      %xor3A_131 = arith.xori %bitcast_convert_type3A_116, %select_n3A_130 : vector<16xi32>
      %bitcast_convert_type3A_132 = tpu.bitcast %xor3A_131 : vector<16xi32> -> vector<16xf32>
      %sub3A_133 = arith.subf %bitcast_convert_type3A_132, %broadcast_in_dim3A_30 : vector<16xf32>
      %mul3A_134 = arith.mulf %sub3A_133, %get3A_1 : vector<16xf32>
      %exp3A_135 = math.exp %mul3A_134 : vector<16xf32>
      %jit3A_136 = arith.constant 0.000000e+00 : f32
      %broadcast_in_dim3A_137 = vector.broadcast %jit3A_136 : f32 to vector<16xf32>
      %select_n3A_138 = arith.select %gt3A, %exp3A_135, %broadcast_in_dim3A_137 : vector<16xi1>, vector<16xf32>
      %add3A_139 = arith.addf %scan3A_107, %select_n3A_138 : vector<16xf32>
      %mul3A_140 = arith.constant 4 : i32
      %mul3A_141 = arith.muli %mul3A_140, %scan3A_105 : i32
      %add3A_142 = arith.constant 1 : i32
      %add3A_143 = arith.addi %mul3A_141, %add3A_142 : i32
      %mul3A_144 = arith.constant 16 : i32
      %mul3A_145 = arith.muli %add3A_143, %mul3A_144 : i32
      %get3A_146 = arith.index_cast %mul3A_145 : i32 to index
      %get3A_147 = tpu.vector_load %arg5[%get3A_146] {strides = array<i32>} : memref<65536xf32, #tpu.memory_space<vmem>>, vector<16xf32>,
      %bitcast_convert_type3A_148 = tpu.bitcast %get3A_147 : vector<16xf32> -> vector<16xi32>
      %gt3A_149 = arith.cmpi ugt, %bitcast_convert_type3A_148, %broadcast_in_dim3A_47 : vector<16xi32>
      %jit3A_150 = arith.constant 1 : i32
      %jit3A_151 = arith.constant 0 : i32
      %broadcast_in_dim3A_152 = vector.broadcast %jit3A_150 : i32 to vector<16xi32>
      %broadcast_in_dim3A_153 = vector.broadcast %jit3A_151 : i32 to vector<16xi32>
      %select_n3A_154 = arith.select %gt3A_149, %broadcast_in_dim3A_152, %broadcast_in_dim3A_153 : vector<16xi1>, vector<16xi32>
      %add3A_155 = arith.addi %add3A_122, %select_n3A_154 : vector<16xi32>
      %ge3A_156 = arith.constant -2147483648 : i32
      %ge3A_157 = vector.broadcast %ge3A_156 : i32 to vector<16xi32>
      %ge3A_158 = arith.cmpi uge, %bitcast_convert_type3A_148, %ge3A_157 : vector<16xi32>
      %jit3A_159 = arith.constant -2147483648 : i32
      %jit3A_160 = arith.constant -1 : i32
      %broadcast_in_dim3A_161 = vector.broadcast %jit3A_159 : i32 to vector<16xi32>
      %broadcast_in_dim3A_162 = vector.broadcast %jit3A_160 : i32 to vector<16xi32>
      %select_n3A_163 = arith.select %ge3A_158, %broadcast_in_dim3A_161, %broadcast_in_dim3A_162 : vector<16xi1>, vector<16xi32>
      %xor3A_164 = arith.xori %bitcast_convert_type3A_148, %select_n3A_163 : vector<16xi32>
      %bitcast_convert_type3A_165 = tpu.bitcast %xor3A_164 : vector<16xi32> -> vector<16xf32>
      %sub3A_166 = arith.subf %bitcast_convert_type3A_165, %broadcast_in_dim3A_30 : vector<16xf32>
      %mul3A_167 = arith.mulf %sub3A_166, %get3A_1 : vector<16xf32>
      %exp3A_168 = math.exp %mul3A_167 : vector<16xf32>
      %jit3A_169 = arith.constant 0.000000e+00 : f32
      %broadcast_in_dim3A_170 = vector.broadcast %jit3A_169 : f32 to vector<16xf32>
      %select_n3A_171 = arith.select %gt3A_149, %exp3A_168, %broadcast_in_dim3A_170 : vector<16xi1>, vector<16xf32>
      %add3A_172 = arith.addf %add3A_139, %select_n3A_171 : vector<16xf32>
      %mul3A_173 = arith.constant 4 : i32
      %mul3A_174 = arith.muli %mul3A_173, %scan3A_105 : i32
      %add3A_175 = arith.constant 2 : i32
      %add3A_176 = arith.addi %mul3A_174, %add3A_175 : i32
      %mul3A_177 = arith.constant 16 : i32
      %mul3A_178 = arith.muli %add3A_176, %mul3A_177 : i32
      %get3A_179 = arith.index_cast %mul3A_178 : i32 to index
      %get3A_180 = tpu.vector_load %arg5[%get3A_179] {strides = array<i32>} : memref<65536xf32, #tpu.memory_space<vmem>>, vector<16xf32>,
      %bitcast_convert_type3A_181 = tpu.bitcast %get3A_180 : vector<16xf32> -> vector<16xi32>
      %gt3A_182 = arith.cmpi ugt, %bitcast_convert_type3A_181, %broadcast_in_dim3A_47 : vector<16xi32>
      %jit3A_183 = arith.constant 1 : i32
      %jit3A_184 = arith.constant 0 : i32
      %broadcast_in_dim3A_185 = vector.broadcast %jit3A_183 : i32 to vector<16xi32>
      %broadcast_in_dim3A_186 = vector.broadcast %jit3A_184 : i32 to vector<16xi32>
      %select_n3A_187 = arith.select %gt3A_182, %broadcast_in_dim3A_185, %broadcast_in_dim3A_186 : vector<16xi1>, vector<16xi32>
      %add3A_188 = arith.addi %add3A_155, %select_n3A_187 : vector<16xi32>
      %ge3A_189 = arith.constant -2147483648 : i32
      %ge3A_190 = vector.broadcast %ge3A_189 : i32 to vector<16xi32>
      %ge3A_191 = arith.cmpi uge, %bitcast_convert_type3A_181, %ge3A_190 : vector<16xi32>
      %jit3A_192 = arith.constant -2147483648 : i32
      %jit3A_193 = arith.constant -1 : i32
      %broadcast_in_dim3A_194 = vector.broadcast %jit3A_192 : i32 to vector<16xi32>
      %broadcast_in_dim3A_195 = vector.broadcast %jit3A_193 : i32 to vector<16xi32>
      %select_n3A_196 = arith.select %ge3A_191, %broadcast_in_dim3A_194, %broadcast_in_dim3A_195 : vector<16xi1>, vector<16xi32>
      %xor3A_197 = arith.xori %bitcast_convert_type3A_181, %select_n3A_196 : vector<16xi32>
      %bitcast_convert_type3A_198 = tpu.bitcast %xor3A_197 : vector<16xi32> -> vector<16xf32>
      %sub3A_199 = arith.subf %bitcast_convert_type3A_198, %broadcast_in_dim3A_30 : vector<16xf32>
      %mul3A_200 = arith.mulf %sub3A_199, %get3A_1 : vector<16xf32>
      %exp3A_201 = math.exp %mul3A_200 : vector<16xf32>
      %jit3A_202 = arith.constant 0.000000e+00 : f32
      %broadcast_in_dim3A_203 = vector.broadcast %jit3A_202 : f32 to vector<16xf32>
      %select_n3A_204 = arith.select %gt3A_182, %exp3A_201, %broadcast_in_dim3A_203 : vector<16xi1>, vector<16xf32>
      %add3A_205 = arith.addf %add3A_172, %select_n3A_204 : vector<16xf32>
      %mul3A_206 = arith.constant 4 : i32
      %mul3A_207 = arith.muli %mul3A_206, %scan3A_105 : i32
      %add3A_208 = arith.constant 3 : i32
      %add3A_209 = arith.addi %mul3A_207, %add3A_208 : i32
      %mul3A_210 = arith.constant 16 : i32
      %mul3A_211 = arith.muli %add3A_209, %mul3A_210 : i32
      %get3A_212 = arith.index_cast %mul3A_211 : i32 to index
      %get3A_213 = tpu.vector_load %arg5[%get3A_212] {strides = array<i32>} : memref<65536xf32, #tpu.memory_space<vmem>>, vector<16xf32>,
      %bitcast_convert_type3A_214 = tpu.bitcast %get3A_213 : vector<16xf32> -> vector<16xi32>
      %gt3A_215 = arith.cmpi ugt, %bitcast_convert_type3A_214, %broadcast_in_dim3A_47 : vector<16xi32>
      %jit3A_216 = arith.constant 1 : i32
      %jit3A_217 = arith.constant 0 : i32
      %broadcast_in_dim3A_218 = vector.broadcast %jit3A_216 : i32 to vector<16xi32>
      %broadcast_in_dim3A_219 = vector.broadcast %jit3A_217 : i32 to vector<16xi32>
      %select_n3A_220 = arith.select %gt3A_215, %broadcast_in_dim3A_218, %broadcast_in_dim3A_219 : vector<16xi1>, vector<16xi32>
      %add3A_221 = arith.addi %add3A_188, %select_n3A_220 : vector<16xi32>
      %ge3A_222 = arith.constant -2147483648 : i32
      %ge3A_223 = vector.broadcast %ge3A_222 : i32 to vector<16xi32>
      %ge3A_224 = arith.cmpi uge, %bitcast_convert_type3A_214, %ge3A_223 : vector<16xi32>
      %jit3A_225 = arith.constant -2147483648 : i32
      %jit3A_226 = arith.constant -1 : i32
      %broadcast_in_dim3A_227 = vector.broadcast %jit3A_225 : i32 to vector<16xi32>
      %broadcast_in_dim3A_228 = vector.broadcast %jit3A_226 : i32 to vector<16xi32>
      %select_n3A_229 = arith.select %ge3A_224, %broadcast_in_dim3A_227, %broadcast_in_dim3A_228 : vector<16xi1>, vector<16xi32>
      %xor3A_230 = arith.xori %bitcast_convert_type3A_214, %select_n3A_229 : vector<16xi32>
      %bitcast_convert_type3A_231 = tpu.bitcast %xor3A_230 : vector<16xi32> -> vector<16xf32>
      %sub3A_232 = arith.subf %bitcast_convert_type3A_231, %broadcast_in_dim3A_30 : vector<16xf32>
      %mul3A_233 = arith.mulf %sub3A_232, %get3A_1 : vector<16xf32>
      %exp3A_234 = math.exp %mul3A_233 : vector<16xf32>
      %jit3A_235 = arith.constant 0.000000e+00 : f32
      %broadcast_in_dim3A_236 = vector.broadcast %jit3A_235 : f32 to vector<16xf32>
      %select_n3A_237 = arith.select %gt3A_215, %exp3A_234, %broadcast_in_dim3A_236 : vector<16xi1>, vector<16xf32>
      %add3A_238 = arith.addf %add3A_205, %select_n3A_237 : vector<16xf32>
      scf.yield %add3A_221, %add3A_238 : vector<16xi32>, vector<16xf32>
    }
    %scan3A_53 = arith.constant 1024 : i32
    %swap3A_54 = arith.constant 0 : index
    %swap3A_55 = tpu.vector_load %arg6[%swap3A_54] {strides = array<i32>} : memref<16xf32, #tpu.memory_space<vmem>>, vector<16xf32>,
    tpu.vector_store %arg6[%swap3A_54], %scan3A_52#1 {strides = array<i32>} : memref<16xf32, #tpu.memory_space<vmem>>, vector<16xf32>,
    %reduce_sum3A_56 = arith.constant true
    %reduce_sum3A_57 = vector.broadcast %reduce_sum3A_56 : i1 to vector<16xi1>
    %reduce_sum3A_58 = tpu.scan <sum>, %scan3A_52#0 masked %reduce_sum3A_57 : vector<16xi32>, vector<16xi1> -> vector<16xi32>
    %reduce_sum3A_59 = vector.extract %reduce_sum3A_58[15] : i32 from vector<16xi32>
    %broadcast_in_dim3A_60 = vector.broadcast %reduce_sum3A_59 : i32 to vector<16xi32>
    %swap3A_61 = arith.constant 0 : index
    %swap3A_62 = tpu.vector_load %arg7[%swap3A_61] {strides = array<i32>} : memref<16xi32, #tpu.memory_space<vmem>>, vector<16xi32>,
    tpu.vector_store %arg7[%swap3A_61], %broadcast_in_dim3A_60 {strides = array<i32>} : memref<16xi32, #tpu.memory_space<vmem>>, vector<16xi32>,
    "tpu.region"() ({
      %run_scoped3A = tpu.sem_alloc : memref<!tpu.dma_semaphore, #tpu.memory_space<semaphore_mem>>
      %dma_start3A = arith.constant 0 : i32
      %dma_start3A_105 = tpu.memref_slice %arg11[%arg1, %dma_start3A] : memref<16x16xf32, #tpu.memory_space<vmem_shared>> -> memref<1x16xf32, #tpu.memory_space<vmem_shared>>
      %dma_start3A_106 = tpu.memref_squeeze %dma_start3A_105 : memref<1x16xf32, #tpu.memory_space<vmem_shared>> -> memref<16xf32, #tpu.memory_space<vmem_shared>>
      %dma_start3A_107 = arith.constant 0 : i32
      %dma_start3A_108 = tpu.memref_slice %arg11[%arg1, %dma_start3A_107] : memref<16x16xf32, #tpu.memory_space<vmem_shared>> -> memref<1x16xf32, #tpu.memory_space<vmem_shared>>
      %dma_start3A_109 = tpu.memref_squeeze %dma_start3A_108 : memref<1x16xf32, #tpu.memory_space<vmem_shared>> -> memref<16xf32, #tpu.memory_space<vmem_shared>>
      tpu.enqueue_dma source(%arg6 : memref<16xf32, #tpu.memory_space<vmem>>) target(%dma_start3A_109 : memref<16xf32, #tpu.memory_space<vmem_shared>>) target_semaphore(%run_scoped3A : memref<!tpu.dma_semaphore, #tpu.memory_space<semaphore_mem>>)
      %dma_wait3A = arith.constant 0 : i32
      %dma_wait3A_110 = tpu.memref_slice %arg11[%arg1, %dma_wait3A] : memref<16x16xf32, #tpu.memory_space<vmem_shared>> -> memref<1x16xf32, #tpu.memory_space<vmem_shared>>
      %dma_wait3A_111 = tpu.memref_squeeze %dma_wait3A_110 : memref<1x16xf32, #tpu.memory_space<vmem_shared>> -> memref<16xf32, #tpu.memory_space<vmem_shared>>
      %dma_wait3A_112 = arith.constant 0 : i32
      %dma_wait3A_113 = tpu.memref_slice %arg11[%arg1, %dma_wait3A_112] : memref<16x16xf32, #tpu.memory_space<vmem_shared>> -> memref<1x16xf32, #tpu.memory_space<vmem_shared>>
      %dma_wait3A_114 = tpu.memref_squeeze %dma_wait3A_113 : memref<1x16xf32, #tpu.memory_space<vmem_shared>> -> memref<16xf32, #tpu.memory_space<vmem_shared>>
      tpu.wait_dma2 semaphore(%run_scoped3A : memref<!tpu.dma_semaphore, #tpu.memory_space<semaphore_mem>>) src(%arg6 : memref<16xf32, #tpu.memory_space<vmem>>) dst(%dma_wait3A_114 : memref<16xf32, #tpu.memory_space<vmem_shared>>)
      tpu.yield
    }) : () -> ()
    "tpu.region"() ({
      %run_scoped3A = tpu.sem_alloc : memref<!tpu.dma_semaphore, #tpu.memory_space<semaphore_mem>>
      %dma_start3A = arith.constant 0 : i32
      %dma_start3A_105 = tpu.memref_slice %arg12[%arg1, %dma_start3A] : memref<16x16xi32, #tpu.memory_space<vmem_shared>> -> memref<1x16xi32, #tpu.memory_space<vmem_shared>>
      %dma_start3A_106 = tpu.memref_squeeze %dma_start3A_105 : memref<1x16xi32, #tpu.memory_space<vmem_shared>> -> memref<16xi32, #tpu.memory_space<vmem_shared>>
      %dma_start3A_107 = arith.constant 0 : i32
      %dma_start3A_108 = tpu.memref_slice %arg12[%arg1, %dma_start3A_107] : memref<16x16xi32, #tpu.memory_space<vmem_shared>> -> memref<1x16xi32, #tpu.memory_space<vmem_shared>>
      %dma_start3A_109 = tpu.memref_squeeze %dma_start3A_108 : memref<1x16xi32, #tpu.memory_space<vmem_shared>> -> memref<16xi32, #tpu.memory_space<vmem_shared>>
      tpu.enqueue_dma source(%arg7 : memref<16xi32, #tpu.memory_space<vmem>>) target(%dma_start3A_109 : memref<16xi32, #tpu.memory_space<vmem_shared>>) target_semaphore(%run_scoped3A : memref<!tpu.dma_semaphore, #tpu.memory_space<semaphore_mem>>)
      %dma_wait3A = arith.constant 0 : i32
      %dma_wait3A_110 = tpu.memref_slice %arg12[%arg1, %dma_wait3A] : memref<16x16xi32, #tpu.memory_space<vmem_shared>> -> memref<1x16xi32, #tpu.memory_space<vmem_shared>>
      %dma_wait3A_111 = tpu.memref_squeeze %dma_wait3A_110 : memref<1x16xi32, #tpu.memory_space<vmem_shared>> -> memref<16xi32, #tpu.memory_space<vmem_shared>>
      %dma_wait3A_112 = arith.constant 0 : i32
      %dma_wait3A_113 = tpu.memref_slice %arg12[%arg1, %dma_wait3A_112] : memref<16x16xi32, #tpu.memory_space<vmem_shared>> -> memref<1x16xi32, #tpu.memory_space<vmem_shared>>
      %dma_wait3A_114 = tpu.memref_squeeze %dma_wait3A_113 : memref<1x16xi32, #tpu.memory_space<vmem_shared>> -> memref<16xi32, #tpu.memory_space<vmem_shared>>
      tpu.wait_dma2 semaphore(%run_scoped3A : memref<!tpu.dma_semaphore, #tpu.memory_space<semaphore_mem>>) src(%arg7 : memref<16xi32, #tpu.memory_space<vmem>>) dst(%dma_wait3A_114 : memref<16xi32, #tpu.memory_space<vmem_shared>>)
      tpu.yield
    }) : () -> ()
    %barrier3A_63 = arith.constant 0 : index
    tpu.barrier barrier_id(%barrier3A_63)
    "tpu.region"() ({
      %run_scoped3A = tpu.sem_alloc : memref<!tpu.dma_semaphore, #tpu.memory_space<semaphore_mem>>
      tpu.enqueue_dma source(%arg11 : memref<16x16xf32, #tpu.memory_space<vmem_shared>>) target(%arg9 : memref<16x16xf32, #tpu.memory_space<vmem>>) target_semaphore(%run_scoped3A : memref<!tpu.dma_semaphore, #tpu.memory_space<semaphore_mem>>)
      tpu.wait_dma2 semaphore(%run_scoped3A : memref<!tpu.dma_semaphore, #tpu.memory_space<semaphore_mem>>) src(%arg11 : memref<16x16xf32, #tpu.memory_space<vmem_shared>>) dst(%arg9 : memref<16x16xf32, #tpu.memory_space<vmem>>)
      tpu.yield
    }) : () -> ()
    "tpu.region"() ({
      %run_scoped3A = tpu.sem_alloc : memref<!tpu.dma_semaphore, #tpu.memory_space<semaphore_mem>>
      tpu.enqueue_dma source(%arg12 : memref<16x16xi32, #tpu.memory_space<vmem_shared>>) target(%arg10 : memref<16x16xi32, #tpu.memory_space<vmem>>) target_semaphore(%run_scoped3A : memref<!tpu.dma_semaphore, #tpu.memory_space<semaphore_mem>>)
      tpu.wait_dma2 semaphore(%run_scoped3A : memref<!tpu.dma_semaphore, #tpu.memory_space<semaphore_mem>>) src(%arg12 : memref<16x16xi32, #tpu.memory_space<vmem_shared>>) dst(%arg10 : memref<16x16xi32, #tpu.memory_space<vmem>>)
      tpu.yield
    }) : () -> ()
    %scan3A_64 = arith.constant 0 : i32
    %scan3A_65 = arith.constant 16 : i32
    %scan3A_66 = arith.addi %scan3A_64, %scan3A_65 : i32
    %scan3A_67 = arith.constant 1 : i32
    %scan3A_68:2 = scf.for %scan3A_105 = %scan3A_64 to %scan3A_66 step %scan3A_67 iter_args(%scan3A_106 = %broadcast_in_dim3A_4, %scan3A_107 = %broadcast_in_dim3A_2) -> (vector<16xf32>, vector<16xi32>)  : i32 {
      %get3A_108 = arith.index_cast %scan3A_105 : i32 to index
      %get3A_109 = arith.constant 0 : index
      %get3A_110 = tpu.vector_load %arg9[%get3A_108, %get3A_109] {strides = array<i32>} : memref<16x16xf32, #tpu.memory_space<vmem>>, vector<16xf32>,
      %add3A_111 = arith.addf %scan3A_106, %get3A_110 : vector<16xf32>
      %get3A_112 = arith.index_cast %scan3A_105 : i32 to index
      %get3A_113 = arith.constant 0 : index
      %get3A_114 = tpu.vector_load %arg10[%get3A_112, %get3A_113] {strides = array<i32>} : memref<16x16xi32, #tpu.memory_space<vmem>>, vector<16xi32>,
      %add3A_115 = arith.addi %scan3A_107, %get3A_114 : vector<16xi32>
      scf.yield %add3A_111, %add3A_115 : vector<16xf32>, vector<16xi32>
    }
    %scan3A_69 = arith.constant 16 : i32
    %reduce_sum3A_70 = arith.constant true
    %reduce_sum3A_71 = vector.broadcast %reduce_sum3A_70 : i1 to vector<16xi1>
    %reduce_sum3A_72 = tpu.scan <sum>, %scan3A_68#0 masked %reduce_sum3A_71 : vector<16xf32>, vector<16xi1> -> vector<16xf32>
    %reduce_sum3A_73 = vector.extract %reduce_sum3A_72[15] : f32 from vector<16xf32>
    %reduce_max3A_74 = arith.constant true
    %reduce_max3A_75 = vector.broadcast %reduce_max3A_74 : i1 to vector<16xi1>
    %reduce_max3A_76 = arith.constant -2147483648 : i32
    %reduce_max3A_77 = vector.broadcast %reduce_max3A_76 : i32 to vector<16xi32>
    %reduce_max3A_78 = arith.xori %scan3A_68#1, %reduce_max3A_77 : vector<16xi32>
    %reduce_max3A_79 = tpu.scan <max>, %reduce_max3A_78 masked %reduce_max3A_75 : vector<16xi32>, vector<16xi1> -> vector<16xi32>
    %reduce_max3A_80 = arith.xori %reduce_max3A_79, %reduce_max3A_77 : vector<16xi32>
    %reduce_max3A_81 = vector.extract %reduce_max3A_80[15] : i32 from vector<16xi32>
    %sub3A = arith.constant 524288 : i32
    %sub3A_82 = arith.subi %sub3A, %reduce_max3A_81 : i32
    %convert_element_type3A_83 = arith.sitofp %sub3A_82 : i32 to f32
    %ge3A_84 = arith.constant -2147483648 : i32
    %ge3A_85 = arith.cmpi uge, %scan3A_45, %ge3A_84 : i32
    %jit3A_86 = arith.constant -2147483648 : i32
    %jit3A_87 = arith.constant -1 : i32
    %select_n3A_88 = arith.select %ge3A_85, %jit3A_86, %jit3A_87 : i32
    %xor3A = arith.xori %scan3A_45, %select_n3A_88 : i32
    %bitcast_convert_type3A = arith.bitcast %xor3A : i32 to f32
    %broadcast_in_dim3A_89 = vector.broadcast %bitcast_convert_type3A : f32 to vector<16xf32>
    %sub3A_90 = arith.subf %broadcast_in_dim3A_89, %broadcast_in_dim3A_30 : vector<16xf32>
    %mul3A_91 = arith.mulf %sub3A_90, %get3A_1 : vector<16xf32>
    %exp3A = math.exp %mul3A_91 : vector<16xf32>
    %broadcast_in_dim3A_92 = vector.broadcast %reduce_sum3A_73 : f32 to vector<16xf32>
    %mul3A_93 = vector.broadcast %convert_element_type3A_83 : f32 to vector<16xf32>
    %mul3A_94 = arith.mulf %exp3A, %mul3A_93 : vector<16xf32>
    %add3A_95 = arith.addf %broadcast_in_dim3A_92, %mul3A_94 : vector<16xf32>
    %iota3A = tpu.iota {dimensions = array<i32: 0>} : vector<16xi32>
    %eq3A_96 = arith.constant 0 : i32
    %eq3A_97 = vector.broadcast %eq3A_96 : i32 to vector<16xi32>
    %eq3A_98 = arith.cmpi eq, %iota3A, %eq3A_97 : vector<16xi32>
    %select_n3A_99 = arith.select %eq3A_98, %add3A_95, %broadcast_in_dim3A_30 : vector<16xi1>, vector<16xf32>
    %eq3A_100 = arith.constant 0 : i32
    %eq3A_101 = arith.cmpi eq, %arg1, %eq3A_100 : i32
    %convert_element_type3A_102 = arith.extui %eq3A_101 : i1 to i32
    %cond3A_103 = arith.constant 0 : i32
    %cond3A_104 = arith.cmpi ne, %convert_element_type3A_102, %cond3A_103 : i32
    scf.if %cond3A_104 {
      %swap3A_105 = arith.constant 0 : index
      %swap3A_106 = tpu.vector_load %arg6[%swap3A_105] {strides = array<i32>} : memref<16xf32, #tpu.memory_space<vmem>>, vector<16xf32>,
      tpu.vector_store %arg6[%swap3A_105], %select_n3A_99 {strides = array<i32>} : memref<16xf32, #tpu.memory_space<vmem>>, vector<16xf32>,
      "tpu.region"() ({
        %run_scoped3A = tpu.sem_alloc : memref<!tpu.dma_semaphore, #tpu.memory_space<semaphore_mem>>
        tpu.enqueue_dma source(%arg6 : memref<16xf32, #tpu.memory_space<vmem>>) target(%arg4 : memref<16xf32, #tpu.memory_space<hbm>>) target_semaphore(%run_scoped3A : memref<!tpu.dma_semaphore, #tpu.memory_space<semaphore_mem>>)
        tpu.wait_dma2 semaphore(%run_scoped3A : memref<!tpu.dma_semaphore, #tpu.memory_space<semaphore_mem>>) src(%arg6 : memref<16xf32, #tpu.memory_space<vmem>>) dst(%arg4 : memref<16xf32, #tpu.memory_space<hbm>>)
        tpu.yield
      }) : () -> ()
    } else {
    }
    return
  }
}

</mosaic_0001>

<sc_bundles>
// kernel: kernel.3.cloned.1.call-start
scs
__scs_entry_jumppad:
0x0: {  	(pc) =	sbr.rel $0x88, $3  }
0x1: {  	(tag) =	ssettag $0x0;
	lr =	simm.s32 $0x1  }
0x2: {  	[smem:$0x3F9F] =	sst lr;
	_ =	strace $0xD0000000  }
0x3: {  	_ = 	snop  }
0x4: {  	_ = 	snop  }
0x5: {  	_ = 	snop  }
0x6: {  	_ = 	snop  }
0x7: {  	_ = 	snop  }
__scs_overlays_trampoline_lowered:
0x8: {  	[smem:$0x3FAE] =	sst s0  }
0x9: {  	[smem:$0x3FAF] =	sst s1  }
0xa: {  	[smem:$0x3FB0] =	sst s2  }
0xb: {  	[smem:$0x3FB1] =	sst s3  }
0xc: {  	[smem:$0x3FB2] =	sst s4  }
0xd: {  	[smem:$0x3FB3] =	sst s5  }
0xe: {  	[smem:$0x3FB4] =	sst s6  }
0xf: {  	[smem:$0x3FB5] =	sst s7  }
0x10: {  	[smem:$0x3FB6] =	sst s8  }
0x11: {  	[smem:$0x3FB7] =	sst s9;
	s0 =	simm.s32 @!p0 $0x0  }
0x12: {  	s1 =	sld [smem:$0x3F9D];
	s0 =	simm.s32 @p0 $0x1  }
0x13: {  	[smem:$0x3FB8] =	sst s0;
	s0 =	simm.s32 @!p1 $0x0  }
0x14: {  	s2 =	sld [smem:$0x3F9C];
	s0 =	simm.s32 @p1 $0x1  }
0x15: {  	[smem:$0x3FB9] =	sst s0;
	s0 =	simm.s32 @!p2 $0x0  }
0x16: {  	s3 =	sld [smem:$0x3FDB];
	s0 =	simm.s32 @p2 $0x1  }
0x17: {  	s4 =	simm.s32 $0x1BF5;
	[smem:$0x3FBB] =	sst s0  }
0x18: {  	s0 =	sld [smem:$0x3F9E];
	_ =	swait.ge [sflag:s4], $0x0  }
0x19: {  	s7 =	sld [smem:$0x3F9F]  }
0x1a: {  	s8 =	sadd.s32 $0xFFFFE003, lr  }
0x1b: {  	s9 =	sadd.s32 $0xFFFFFEF7, lr;
	s5 =	simm.s32 $0xFFFFFFFF;
	p2 =	slt.u32 s8, $0xFFFFF086  }
0x1c: {  	p1 =	slt.u32 s9, $0xF7A;
	s5 =	simm.s32 @!p2 $0x0  }
0x1d: {  	s5 =	simm.s32 @p1 $0x1;
	p0 =	seq.s32 s7, s2  }
0x1e: {  	s7 =	smul.u32 @!p0 $0xF7A, s2;
	p2 =	seq.s32 @!p0 s5, $0x0  }
0x1f: {  	s9 =	smul.u32 $0xF7A, s1;
	s8 =	simm.s32 @!p0 $0x1BF5;
	p2 =	por !p2, p0  }
0x20: {  	[sflag:s8] =	ssyncset.s32 @!p0 $0xFFFFF086;
	s6 =	sadd.s32 @!p0 s3, s7;
	s7 =	simm.s32 @!p0 $0x108  }
0x21: {  	s3 =	sadd.s32 s3, s9;
	s6 =	sadd.s32 @!p0 $0x88, s6;
	s7 =	simm.s32 @p2 $0x1082  }
0x22: {  	[simem:s7], [sflag:s8] =	dma.local @!p0 [hbm:s6], $0xF7A  }
0x23: {  	s9 =	sor.u32 $0xD0000000, s2;
	s6 =	simm.s32 $0x108;
	_ =	swait.ge @!p0 [sflag:s8], $0x0  }
0x24: {  	s3 =	sadd.s32 $0x88, s3;
	s6 =	simm.s32 @!p1 $0x1082;
	[sflag:s4] =	ssyncset.s32 $0xFFFFF086  }
0x25: {  	[simem:s6], [sflag:s4] =	dma.local [hbm:s3], $0xF7A  }
0x26: {  	[smem:$0x3F9F] =	sst s1;
	(tag) =	ssettag s2;
	_ =	strace s9  }
0x27: {  	s1 =	sld [smem:$0x3FAF]  }
0x28: {  	s2 =	sld [smem:$0x3FB0]  }
0x29: {  	s4 =	sld [smem:$0x3FB2]  }
0x2a: {  	p0 =	seq.s32 s5, $0x0;
	s5 =	sld [smem:$0x3FB3]  }
0x2b: {  	s6 =	sld [smem:$0x3FB4]  }
0x2c: {  	s7 =	sld [smem:$0x3FB5]  }
0x2d: {  	s3 =	simm.s32 $0x108;
	s8 =	sld [smem:$0x3FB6]  }
0x2e: {  	s3 =	simm.s32 @!p0 $0x1082;
	s9 =	sld [smem:$0x3FB7]  }
0x2f: {  	lr =	sadd.s32 s0, s3;
	s0 =	sld [smem:$0x3FAE]  }
0x30: {  	s3 =	sld [smem:$0x3FB1]  }
0x31: {  	[smem:$0x3FBA] =	sst s10  }
0x32: {  	s10 =	sld [smem:$0x3FB8];
	_ =	sdelay $0x3  }
0x33: {  	p0 =	seq.s32 s10, $0x1;
	s10 =	sld [smem:$0x3FBA];
	_ =	sdelay $0x3  }
0x34: {  	[smem:$0x3FBA] =	sst s10  }
0x35: {  	s10 =	sld [smem:$0x3FB9];
	_ =	sdelay $0x3  }
0x36: {  	p1 =	seq.s32 s10, $0x1;
	s10 =	sld [smem:$0x3FBA];
	_ =	sdelay $0x3  }
0x37: {  	[smem:$0x3FBA] =	sst s10  }
0x38: {  	s10 =	sld [smem:$0x3FBB]  }
0x39: {  	_ = 	snop;
	(pc) =	sbr.ind lr, $3  }
0x3a: {  	_ = 	snop  }
0x3b: {  	_ = 	snop  }
0x3c: {  	p2 =	seq.s32 s10, $0x1;
	s10 =	sld [smem:$0x3FBA]  }
0x3d: {  	_ =	shalt  }
0x3e: {  	_ =	shalt  }
0x3f: {  	_ =	shalt  }
0x40: {  	_ =	shalt  }
0x41: {  	_ =	shalt  }
0x42: {  	_ =	shalt  }
0x43: {  	_ =	shalt  }
0x44: {  	_ =	shalt  }
0x45: {  	_ =	shalt  }
0x46: {  	_ =	shalt  }
0x47: {  	_ =	shalt  }
0x48: {  	_ =	shalt  }
0x49: {  	_ =	shalt  }
0x4a: {  	_ =	shalt  }
0x4b: {  	_ =	shalt  }
0x4c: {  	_ =	shalt  }
0x4d: {  	_ =	shalt  }
0x4e: {  	_ =	shalt  }
0x4f: {  	_ =	shalt  }
0x50: {  	_ =	shalt  }
0x51: {  	_ =	shalt  }
0x52: {  	_ =	shalt  }
0x53: {  	_ =	shalt  }
0x54: {  	_ =	shalt  }
0x55: {  	_ =	shalt  }
0x56: {  	_ =	shalt  }
0x57: {  	_ =	shalt  }
0x58: {  	_ =	shalt  }
0x59: {  	_ =	shalt  }
0x5a: {  	_ =	shalt  }
0x5b: {  	_ =	shalt  }
0x5c: {  	_ =	shalt  }
0x5d: {  	_ =	shalt  }
0x5e: {  	_ =	shalt  }
0x5f: {  	_ =	shalt  }
0x60: {  	_ =	shalt  }
0x61: {  	_ =	shalt  }
0x62: {  	_ =	shalt  }
0x63: {  	_ =	shalt  }
0x64: {  	_ =	shalt  }
0x65: {  	_ =	shalt  }
0x66: {  	_ =	shalt  }
0x67: {  	_ =	shalt  }
0x68: {  	_ =	shalt  }
0x69: {  	_ =	shalt  }
0x6a: {  	_ =	shalt  }
0x6b: {  	_ =	shalt  }
0x6c: {  	_ =	shalt  }
0x6d: {  	_ =	shalt  }
0x6e: {  	_ =	shalt  }
0x6f: {  	_ =	shalt  }
0x70: {  	_ =	shalt  }
0x71: {  	_ =	shalt  }
0x72: {  	_ =	shalt  }
0x73: {  	_ =	shalt  }
0x74: {  	_ =	shalt  }
0x75: {  	_ =	shalt  }
0x76: {  	_ =	shalt  }
0x77: {  	_ =	shalt  }
0x78: {  	_ =	shalt  }
0x79: {  	_ =	shalt  }
0x7a: {  	_ =	shalt  }
0x7b: {  	_ =	shalt  }
0x7c: {  	_ =	shalt  }
0x7d: {  	_ =	shalt  }
0x7e: {  	_ =	shalt  }
0x7f: {  	_ =	shalt  }
0x80: {  	_ =	shalt  }
0x81: {  	_ =	shalt  }
0x82: {  	_ =	shalt  }
0x83: {  	_ =	shalt  }
0x84: {  	_ =	shalt  }
0x85: {  	_ =	shalt  }
0x86: {  	_ =	shalt  }
0x87: {  	_ =	shalt  }
.Lfunc_end0:
.L_simem_size_0:
called_computation_lowered:
.L_overlay_start_0:
0x88: {  	s0 =	sld [smem:$0x3FD9]  }
0x89: {  	s1 =	sld [smem:$0x3FFE];
	_ =	sdelay $0x3  }
0x8a: {  	s0 =	sadd.s32 s1, s0  }
0x8b: {  	[smem:$0x3FC6] =	sst s0  }
0x8c: {  	_ = 	snop  }
0x8d: {  	s0 =	sld [smem:$0x3FC8];
	(tm) =	ssettm $0x1  }
0x8e: {  	s16 =	sld [smem:$0x3FFB];
	_ =	sdelay $0x3  }
0x8f: {  	_ =	strace s16  }
0x90: {  	s1 =	sld [smem:$0x3FFC];
	_ =	sdelay $0x3  }
0x91: {  	_ =	strace s1  }
0x92: {  	s1 =	sld [smem:$0x3FFD];
	_ =	sdelay $0x3  }
0x93: {  	_ =	strace s1  }
0x94: {  	_ =	strace $0x8FFFFFFF  }
0x95: {  	s17 =	sld [smem:$0x3FDB];
	_ =	sdelay $0x1  }
0x96: {  	s2 =	simm.s32 $_scs_section_size  }
0x97: {  	s3 =	simm.s32 $_size__tile_overlayer_lowered;
	s4 =	simm.s32 $_tile_overlayer_lowered  }
0x98: {  	s20 =	simm.s32 $0x1BFF;
	s19 =	sshll.u32 s4, $0x1;
	s1 =	sadd.s32 s2, s17  }
0x99: {  	s5 =	simm.s32 $0x0;
	s18 =	sshll.u32 s3, $0x1;
	s3 =	sadd.s32 s19, s1  }
0x9a: {  	[timem:s5], [sflag:s20] =	dma.local [hbm:s3], s18  }
0x9b: {  	_ =	swait.ge [sflag:s20], s18  }
0x9c: {  	s2 =	ssub.s32 $0x0, s18;
	[sflag:s20] =	ssyncset.done $0x0  }
0x9d: {  	[sflag:s20] =	ssyncadd.s32 s2;
	_ =	sdelay $0x1  }
0x9e: {  	s21 =	simm.s32 $0x1B8B  }
0x9f: {  	_ =	swait.ge [sflag:s21], $0x1  }
0xa0: {  	[sflag:s21] =	ssyncset.done $0x0  }
0xa1: {  	s23 =	simm.s32 $0x1B8E;
	s22 =	sld [smem:$0x3FFE];
	[sflag:s21] =	ssyncadd.s32 $0xFFFFFFFF  }
0xa2: {  	s24 =	simm.s32 $execute0_lowered;
	[smem:$0x3FD2] =	sst s23  }
0xa3: {  	s3 =	sshll.u32 s24, $0x1;
	_ =	strace $0x80000046;
	[dreg:$0x1] =	wrdreg $0xFFFFFFFF  }
0xa4: {  	s25 =	simm.s32 $_size_execute0_lowered;
	s1 =	sadd.s32 s1, s3;
	[dreg:$0x0] =	wrdreg $0x0  }
0xa5: {  	s3 =	sshll.u32 s25, $0x1;
	[dreg:$0x2] =	wrdreg s1  }
0xa6: {  	[dreg:$0x3] =	wrdreg s3  }
0xa7: {  	[dreg:$0x4] =	wrdreg $0xC0  }
0xa8: {  	_ =	task [dreg:s5], $0x5FFFF  }
0xa9: {  	[dreg:$0x1] =	wrdreg $0xFFFFFFFF  }
0xaa: {  	[dreg:$0x0] =	wrdreg $0x60  }
0xab: {  	[dreg:$0x2] =	wrdreg s22  }
0xac: {  	[dreg:$0x3] =	wrdreg s0  }
0xad: {  	[dreg:$0x4] =	wrdreg $0x113000  }
0xae: {  	[dreg:$0x5] =	wrdreg $0x113100  }
0xaf: {  	[dreg:$0x6] =	wrdreg $0x113200  }
0xb0: {  	[dreg:$0x7] =	wrdreg $0x9  }
0xb1: {  	_ =	task.clear_ibuf [dreg:s5], $0x8FFFF;
	_ =	strace $0x90000046  }
0xb2: {  	s26 =	simm.s32 $0x9;
	_ =	strace $0x80000048  }
0xb3: {  	_ =	swait.ge [sflag:s26], $0x1  }
0xb4: {  	[sflag:s26] =	ssyncadd.s32 $0xFFFFFFFF  }
0xb5: {  	_ =	strace $0x90000048  }
0xb6: {  	_ =	sfence  }
0xb7: {  	s28 =	sld [smem:$0x0];
	_ =	sdelay $0x1  }
0xb8: {  	s29 =	srdreg.scid  }
0xb9: {  	s30 =	sshll.u32 s29, $0xD;
	s31 =	sshrl.u32 s29, $0x2  }
0xba: {  	s2 =	sand.u32 $0x4000, s30;
	s1 =	sand.u32 $0x1, s29;
	s0 =	sadd.s32 s31, s28  }
0xbb: {  	s1 =	sor.u32 s2, s1;
	s0 =	sshll.u32 s0, $0x11  }
0xbc: {  	s0 =	sor.u32 s0, s1  }
0xbd: {  	s0 =	sadd.s32 $0x8F2B, s0  }
0xbe: {  	[sflag:s0] =	ssyncadd.remote.s32 $0x1  }
0xbf: {  	_ =	sfence.sel $0xFFFF  }
0xc0: {  	[dreg:$0x0] =	wrdreg $0xFFFFFFFF;
	(pc) =	sbr.abs _section_cstart, $3  }
0xc1: {  	[dreg:$0x1] =	wrdreg $0xFFFFFFFF  }
0xc2: {  	_ =	task.clear_ibuf [dreg:s5], $0x2FFFF;
	_ =	strace $0x9FFFFFFF  }
0xc3: {  	(tm) =	ssettm $0x7FFFFFFF  }
tec
execute0_lowered:
.L_overlay_start_1:
0x0: {  	(tag) =	ssettag $0x1  }
0x1: {  	s1 =	rddreg [dreg:$0x0]  }
0x2: {  	s5 =	rddreg [dreg:$0x1]  }
0x3: {  	s3 =	rddreg [dreg:$0x2]  }
0x4: {  	s2 =	rddreg [dreg:$0x3]  }
0x5: {  	s7 =	rddreg [dreg:$0x4]  }
0x6: {  	s0 =	rddreg [dreg:$0x5];
	s6 =	simm.s32 $0x0;
	s4 =	stileid.u32  }
0x7: {  	[smem:$0x7FF] =	sst s6;
	s8 =	sshll.u32 s4, $0xD  }
0x8: {  	s30 =	simm.s32 $0x1;
	_ =	strace $0x80000047;
	s5 =	sadd.s32 s5, s8  }
0x9: {  	[tilespmem:s6], [sflag:$0x1] =	stream.linear.gather [hbm4b:s5+s6], $0x10000, $0x38;
	[tilespmem:$0x11340] =	vst v63  }
0xa: {  	_ =	swait.ge [sflag:s30], $0x10000  }
0xb: {  	[sflag:s30] =	ssyncset.done $0x0  }
0xc: {  	s9 =	simm.s32 $0x10000;
	s31 =	sadd.s32 $0x600, s1;
	[sflag:s30] =	ssyncadd.s32 $0xFFFF0000  }
0xd: {  	[tilespmem:s9], [sflag:$0x1] =	stream.linear.gather [hbm4b:s31+s6], $0x80, $0x38;
	[tilespmem:$0x11340] =	vst v63  }
0xe: {  	_ =	swait.ge [sflag:s30], $0x80  }
0xf: {  	p0 =	sne.s32 s4, $0x0;
	[sflag:s30] =	ssyncset.done $0x0  }
0x10: {  	v1 =	vimm.s32 @!p0 $0x0;
	[sflag:s30] =	ssyncadd.s32 $0xFFFFFF80  }
0x11: {  	[tilespmem:$0x10100] =	vst @!p0 v1  }
0x12: {  	[tilespmem:$0x10110] =	vst @!p0 v1  }
0x13: {  	[tilespmem:$0x10120] =	vst @!p0 v1  }
0x14: {  	[tilespmem:$0x10130] =	vst @!p0 v1  }
0x15: {  	[tilespmem:$0x10140] =	vst @!p0 v1  }
0x16: {  	[tilespmem:$0x10150] =	vst @!p0 v1  }
0x17: {  	[tilespmem:$0x10160] =	vst @!p0 v1  }
0x18: {  	[tilespmem:$0x10170] =	vst @!p0 v1  }
0x19: {  	[tilespmem:$0x10180] =	vst @!p0 v1  }
0x1a: {  	[tilespmem:$0x10190] =	vst @!p0 v1  }
0x1b: {  	[tilespmem:$0x101A0] =	vst @!p0 v1  }
0x1c: {  	[tilespmem:$0x101B0] =	vst @!p0 v1  }
0x1d: {  	[tilespmem:$0x101C0] =	vst @!p0 v1  }
0x1e: {  	[tilespmem:$0x101D0] =	vst @!p0 v1  }
0x1f: {  	[tilespmem:$0x101E0] =	vst @!p0 v1  }
0x20: {  	[tilespmem:$0x101F0] =	vst @!p0 v1  }
0x21: {  	[tilespmem:$0x10200] =	vst @!p0 v1  }
0x22: {  	[tilespmem:$0x10210] =	vst @!p0 v1  }
0x23: {  	[tilespmem:$0x10220] =	vst @!p0 v1  }
0x24: {  	[tilespmem:$0x10230] =	vst @!p0 v1  }
0x25: {  	[tilespmem:$0x10240] =	vst @!p0 v1  }
0x26: {  	[tilespmem:$0x10250] =	vst @!p0 v1  }
0x27: {  	[tilespmem:$0x10260] =	vst @!p0 v1  }
0x28: {  	[tilespmem:$0x10270] =	vst @!p0 v1  }
0x29: {  	[tilespmem:$0x10280] =	vst @!p0 v1  }
0x2a: {  	[tilespmem:$0x10290] =	vst @!p0 v1  }
0x2b: {  	[tilespmem:$0x102A0] =	vst @!p0 v1  }
0x2c: {  	[tilespmem:$0x102B0] =	vst @!p0 v1  }
0x2d: {  	[tilespmem:$0x102C0] =	vst @!p0 v1  }
0x2e: {  	[tilespmem:$0x102D0] =	vst @!p0 v1  }
0x2f: {  	s5 =	simm.s32 @!p0 $0x10100;
	[tilespmem:$0x102E0] =	vst @!p0 v1  }
0x30: {  	v0 =	vld [tilespmem:$0x10000];
	[spmem:s7] =	stream.linear.scatter @!p0 [tilespmem:s5], [sflag:$0x1], $0x200, $0x38  }
0x31: {  	s5 =	simm.s32 @!p0 $0x1  }
0x32: {  	_ =	swait.ge @!p0 [sflag:s5], $0x200  }
0x33: {  	[sflag:s5] =	ssyncset.done @!p0 $0x0  }
0x34: {  	s8 =	simm.s32 $0x0;
	[sflag:s5] =	ssyncadd.s32 @!p0 $0xFFFFFE00  }
0x35: {  	v2 =	vld [tilespmem:s8+$0x0]  }
0x36: {  	v3 =	vld [tilespmem:s8+$0x20]  }
0x37: {  	v6 =	vld [tilespmem:s8+$0x10];
	_ =	sdelay $0x1  }
0x38: {  	v1 =	vld [tilespmem:s8+$0x30]  }
0x39: {  	v5 =	vimm.f32 $-Inf;
	v4 =	vimm.s32 $0x0  }
0x3a: {  	v7 =	vshra.s32 v2, $0x1F;
	v8 =	vmax.f32 v5, v2;
	v9 =	vshra.s32 v3, $0x1F  }
0x3b: {  	v10 =	vshra.s32 v6, $0x1F;
	v5 =	vmax.f32 v5, v6;
	v7 =	vor.u32 $0x80000000, v7  }
0x3c: {  	v7 =	vxor.u32 v2, v7;
	v2 =	vmax.f32 v8, v3;
	v8 =	vor.u32 $0x80000000, v9  }
0x3d: {  	s1 =	sadd.s32 $0x800, s1;
	s4 =	sshll.u32 s4, $0x7;
	s6 =	simm.s32 $0x40;
	v9 =	vor.u32 $0x80000000, v10;
	v10 =	vshra.s32 v1, $0x1F;
	[tilespmem:s8+$0x0] =	vst v7;
	v8 =	vxor.u32 v3, v8  }
0x3e: {  	s9 =	simm.s32 $0x200;
	s5 =	sadd.s32 s4, s3;
	s4 =	sadd.s32 s4, s2;
	v9 =	vxor.u32 v6, v9;
	v10 =	vor.u32 $0x80000000, v10;
	v6 =	vimm.s32 $0x0;
	v3 =	vld [tilespmem:s6+$0x0];
	[tilespmem:s8+$0x20] =	vst v8  }
.LBB2_1:
0x3f: {  	p1 =	sne.s32 s9, $0x3FF00;
	v11 =	vld [tilespmem:s6+$0x20];
	[tilespmem:s8+$0x10] =	vst v9;
	v9 =	vshrl.u32 v9, $0x1F;
	v5 =	vmax.f32 v5, v1;
	v1 =	vxor.u32 v1, v10  }
0x40: {  	v7 =	vshrl.u32 v7, $0x1F;
	v10 =	vld [tilespmem:s6+$0x10];
	v4 =	vadd.s32 v4, v9;
	[tilespmem:s8+$0x30] =	vst v1;
	v9 =	vshrl.u32 v1, $0x1F;
	s8 =	smov.u32 s6  }
0x41: {  	v6 =	vadd.s32 v6, v7;
	v7 =	vshrl.u32 v8, $0x1F;
	v1 =	vld [tilespmem:s8+$0x30];
	v4 =	vadd.s32 v9, v4  }
0x42: {  	v6 =	vadd.s32 v7, v6  }
.Ltmp0:
0x43: {  	v2 =	vmax.f32 v2, v3;
	v7 =	vshra.s32 v3, $0x1F;
	(pc) =	sbr.rel @p1 .LBB2_1-.Ltmp0, $4  }
0x44: {  	v7 =	vor.u32 $0x80000000, v7;
	v2 =	vmax.f32 v2, v11;
	v8 =	vshra.s32 v11, $0x1F  }
0x45: {  	v7 =	vxor.u32 v3, v7;
	v3 =	vshra.s32 v10, $0x1F;
	v8 =	vor.u32 $0x80000000, v8  }
0x46: {  	s6 =	sshra.s32 s9, $0x2;
	[tilespmem:s8+$0x0] =	vst v7;
	v9 =	vor.u32 $0x80000000, v3;
	v8 =	vxor.u32 v11, v8;
	v11 =	vshra.s32 v1, $0x1F  }
0x47: {  	s9 =	sadd.s32 $0x100, s9;
	v5 =	vmax.f32 v5, v10;
	v3 =	vld [tilespmem:s6+$0x0];
	v9 =	vxor.u32 v10, v9;
	[tilespmem:s8+$0x20] =	vst v8;
	v10 =	vor.u32 $0x80000000, v11  }
0x48: {  	v11 =	vld [tilespmem:s6+$0x20];
	[tilespmem:s8+$0x10] =	vst v9;
	v10 =	vxor.u32 v1, v10  }
0x49: {  	v12 =	vld [tilespmem:s6+$0x10];
	[tilespmem:s8+$0x30] =	vst v10  }
0x4a: {  	v9 =	vshrl.u32 v9, $0x1F;
	v7 =	vshrl.u32 v7, $0x1F;
	v13 =	vld [tilespmem:s6+$0x30]  }
0x4b: {  	v4 =	vadd.s32 v4, v9;
	v9 =	vshrl.u32 v10, $0x1F;
	v6 =	vadd.s32 v6, v7  }
0x4c: {  	v7 =	vshrl.u32 v8, $0x1F;
	v4 =	vadd.s32 v9, v4;
	v8 =	vshra.s32 v3, $0x1F  }
0x4d: {  	v6 =	vadd.s32 v7, v6;
	v7 =	vor.u32 $0x80000000, v8;
	v9 =	vshra.s32 v11, $0x1F  }
0x4e: {  	v8 =	vshra.s32 v12, $0x1F;
	v7 =	vxor.u32 v3, v7;
	v9 =	vor.u32 $0x80000000, v9  }
0x4f: {  	v8 =	vor.u32 $0x80000000, v8;
	v10 =	vshra.s32 v13, $0x1F;
	v9 =	vxor.u32 v11, v9  }
0x50: {  	v15 =	vshrl.u32 v7, $0x1F;
	v8 =	vxor.u32 v12, v8;
	v10 =	vor.u32 $0x80000000, v10  }
0x51: {  	v6 =	vadd.s32 v6, v15;
	v14 =	vshrl.u32 v8, $0x1F;
	v10 =	vxor.u32 v13, v10  }
0x52: {  	v15 =	vshrl.u32 v9, $0x1F;
	v4 =	vadd.s32 v4, v14;
	v14 =	vshrl.u32 v10, $0x1F  }
0x53: {  	v6 =	vadd.s32 v15, v6;
	v4 =	vadd.s32 v14, v4  }
0x54: {  	v4 =	vadd.s32 v6, v4  }
0x55: {  	(xrf0) =	vadd.scan.msk.s32 $0xffff, v4;
	_ =	sdelay $0x3  }
0x56: {  	v1 =	vmax.f32 v5, v1;
	[tilespmem:s6+$0x0] =	vst v7  }
0x57: {  	v2 =	vmax.f32 v2, v3;
	v1 =	vmax.f32 v1, v12;
	[tilespmem:s6+$0x20] =	vst v9  }
0x58: {  	v2 =	vmax.f32 v2, v11;
	v1 =	vmax.f32 v1, v13;
	[tilespmem:s6+$0x10] =	vst v8;
	v3, _, _ =	vpop (xrf0)  }
0x59: {  	v1 =	vmax.f32 v2, v1;
	[tilespmem:s6+$0x30] =	vst v10;
	v2 =	vbroadcast v3, $0xF  }
0x5a: {  	[tilespmem:$0x10000] =	vst v1  }
0x5b: {  	s28 =	simm.s32 $0x10000;
	s8 =	simm.s32 $0x1;
	[tilespmem:$0x10080] =	vst v2  }
0x5c: {  	[spmem:s5] =	stream.linear.scatter [tilespmem:s28], [sflag:$0x1], $0x80, $0x38;
	[tilespmem:$0x11340] =	vst v63  }
0x5d: {  	_ =	swait.ge [sflag:s8], $0x80  }
0x5e: {  	[sflag:s8] =	ssyncset.done $0x0  }
0x5f: {  	s9 =	simm.s32 $0x10080;
	[sflag:s8] =	ssyncadd.s32 $0xFFFFFF80  }
0x60: {  	[spmem:s4] =	stream.linear.scatter [tilespmem:s9], [sflag:$0x1], $0x80, $0x38;
	[tilespmem:$0x11340] =	vst v63  }
0x61: {  	_ =	swait.ge [sflag:s8], $0x80  }
0x62: {  	[sflag:s8] =	ssyncset.done $0x0  }
0x63: {  	[sflag:s8] =	ssyncadd.s32 $0xFFFFFF80  }
0x64: {  	s29 =	simm.s32 $0x10300;
	[bflag:$0x0] =	sbarrier.arrive $0xFFFF  }
0x65: {  	[tilespmem:s29], [sflag:$0x1] =	stream.linear.gather [spmem:s3], $0x800, $0x38;
	[tilespmem:$0x11340] =	vst v63  }
0x66: {  	_ =	swait.ge [sflag:s8], $0x800  }
0x67: {  	[sflag:s8] =	ssyncset.done $0x0  }
0x68: {  	s30 =	simm.s32 $0x10B00;
	[sflag:s8] =	ssyncadd.s32 $0xFFFFF800  }
0x69: {  	[tilespmem:s30], [sflag:$0x1] =	stream.linear.gather [spmem:s2], $0x800, $0x38;
	[tilespmem:$0x11340] =	vst v63  }
0x6a: {  	_ =	swait.ge [sflag:s8], $0x800  }
0x6b: {  	[sflag:s8] =	ssyncset.done $0x0  }
0x6c: {  	[sflag:s8] =	ssyncadd.s32 $0xFFFFF800  }
0x6d: {  	v1 =	vld [tilespmem:$0x10B00]  }
0x6e: {  	v2 =	vld [tilespmem:$0x10B80]  }
0x6f: {  	v3 =	vld [tilespmem:$0x10C00]  }
0x70: {  	v4 =	vld [tilespmem:$0x10C80]  }
0x71: {  	v5 =	vld [tilespmem:$0x10D00]  }
0x72: {  	v6 =	vld [tilespmem:$0x10D80]  }
0x73: {  	v1 =	vadd.s32 v1, v2;
	v2 =	vld [tilespmem:$0x10E00]  }
0x74: {  	v1 =	vadd.s32 v1, v3;
	v3 =	vld [tilespmem:$0x10E80]  }
0x75: {  	v1 =	vadd.s32 v1, v4;
	v4 =	vld [tilespmem:$0x10F00]  }
0x76: {  	v1 =	vadd.s32 v1, v5;
	v5 =	vld [tilespmem:$0x10F80]  }
0x77: {  	v1 =	vadd.s32 v1, v6;
	v6 =	vld [tilespmem:$0x11000]  }
0x78: {  	v1 =	vadd.s32 v1, v2;
	v2 =	vld [tilespmem:$0x11080]  }
0x79: {  	v1 =	vadd.s32 v1, v3;
	v3 =	vld [tilespmem:$0x11100]  }
0x7a: {  	v1 =	vadd.s32 v1, v4;
	v4 =	vld [tilespmem:$0x11180]  }
0x7b: {  	v1 =	vadd.s32 v1, v5;
	v5 =	vld [tilespmem:$0x11200]  }
0x7c: {  	v1 =	vadd.s32 v1, v6;
	v6 =	vld [tilespmem:$0x11280]  }
0x7d: {  	v1 =	vadd.s32 v1, v2  }
0x7e: {  	v1 =	vadd.s32 v1, v3  }
0x7f: {  	v1 =	vadd.s32 v1, v4  }
0x80: {  	v1 =	vadd.s32 v1, v5  }
0x81: {  	v1 =	vadd.s32 v1, v6  }
0x82: {  	v1 =	vxor.u32 $0x80000000, v1  }
0x83: {  	(xrf0) =	vmax.scan.msk.u32 $0xffff, v1;
	_ =	sdelay $0x5  }
0x84: {  	v1, _, _ =	vpop (xrf0)  }
0x85: {  	(v2sf) =	vpush v1, $0xF;
	_ =	sdelay $0x1  }
0x86: {  	v7 =	vld [tilespmem:$0x10600]  }
0x87: {  	v8 =	vld [tilespmem:$0x10680]  }
0x88: {  	v9 =	vld [tilespmem:$0x10700]  }
0x89: {  	v10 =	vld [tilespmem:$0x10780]  }
0x8a: {  	v11 =	vld [tilespmem:$0x10800]  }
0x8b: {  	v12 =	vld [tilespmem:$0x10880]  }
0x8c: {  	v13 =	vld [tilespmem:$0x10900]  }
0x8d: {  	v14 =	vld [tilespmem:$0x10980]  }
0x8e: {  	v15 =	vld [tilespmem:$0x10A00]  }
0x8f: {  	v16 =	vld [tilespmem:$0x10A80]  }
0x90: {  	v2 =	vld [tilespmem:$0x10380]  }
0x91: {  	v3 =	vld [tilespmem:$0x10400]  }
0x92: {  	v4 =	vld [tilespmem:$0x10480]  }
0x93: {  	v5 =	vld [tilespmem:$0x10500];
	s31 =	spop (v2sf)  }
0x94: {  	s6 =	simm.s32 $0x80000000;
	v6 =	vld [tilespmem:$0x10580];
	p1 =	sgt.u32 s31, $0x8007FFFF  }
0x95: {  	s10 =	simm.s32 $0x0;
	s11 =	simm.s32 $0x40000000;
	v17 =	vimm.s32 $0x0;
	vm0 =	vmmov $0xffff;
	v18 =	vlaneseq.u32;
	v1 =	vld [tilespmem:$0x10300];
	s6 =	simm.s32 @!p1 $0x0  }
.LBB2_3:
0x96: {  	s14 =	simm.s32 $0x0  }
0x97: {  	v20 =	vld [tilespmem:s14+$0x60]  }
0x98: {  	v21 =	vld [tilespmem:s14+$0x70]  }
0x99: {  	v22 =	vld [tilespmem:s14+$0x40]  }
0x9a: {  	v23 =	vld [tilespmem:s14+$0x50]  }
0x9b: {  	v26 =	vld [tilespmem:s14+$0x20]  }
0x9c: {  	v27 =	vld [tilespmem:s14+$0x30]  }
0x9d: {  	s12 =	sshrl.u32 s11, s10;
	v28 =	vld [tilespmem:s14+$0x0]  }
0x9e: {  	s13 =	simm.s32 $0x80;
	s12 =	sor.u32 s12, s6;
	v29 =	vld [tilespmem:s14+$0x10]  }
0x9f: {  	v25 =	vld [tilespmem:s13+$0x60];
	v19 =	vmov s12  }
0xa0: {  	v24 =	vld [tilespmem:s13+$0x70];
	vm3 =	vge.u32 v20, v19  }
0xa1: {  	v20 =	vld [tilespmem:s13+$0x40];
	vm4 =	vge.u32 v22, v19;
	vm2 =	vge.u32 v23, v19;
	vm1 =	vge.u32 v21, v19  }
0xa2: {  	v21 =	vld [tilespmem:s13+$0x50];
	vm5 =	vge.u32 v28, v19;
	vm6 =	vge.u32 v26, v19;
	vm7 =	vge.u32 v27, v19  }
0xa3: {  	v22 =	vld [tilespmem:s13+$0x20];
	vm8 =	vge.u32 v29, v19;
	v28 =	vsel vm4, $0x1, v17;
	v27 =	vsel vm3, $0x1, v17  }
0xa4: {  	v23 =	vld [tilespmem:s13+$0x30];
	v30 =	vsel vm5, $0x1, v17;
	v31 =	vsel vm8, $0x1, v17;
	v29 =	vsel vm6, $0x1, v17  }
0xa5: {  	s14 =	simm.s32 $0x400;
	v26 =	vld [tilespmem:s13+$0x0];
	v32 =	vsel vm7, $0x1, v17;
	v30 =	vadd.s32 v30, v17;
	v31 =	vadd.s32 v31, v17  }
.LBB2_4:
0xa6: {  	p1 =	sne.s32 s14, $0x3FE00;
	v33 =	vld [tilespmem:s13+$0x10];
	s13 =	sshra.s32 s14, $0x2;
	v29 =	vadd.s32 v29, v30;
	v30 =	vadd.s32 v32, v31;
	v31 =	vsel vm2, $0x1, v17  }
0xa7: {  	v32 =	vld [tilespmem:s13+$0x60];
	v28 =	vadd.s32 v28, v29;
	v29 =	vadd.s32 v31, v30;
	v30 =	vsel vm1, $0x1, v17  }
0xa8: {  	vm3 =	vge.u32 v25, v19;
	v34 =	vld [tilespmem:s13+$0x70];
	v31 =	vadd.s32 v27, v28;
	v35 =	vadd.s32 v30, v29  }
.Ltmp1:
0xa9: {  	vm4 =	vge.u32 v20, v19;
	vm2 =	vge.u32 v21, v19;
	vm1 =	vge.u32 v24, v19;
	v20 =	vld [tilespmem:s13+$0x40];
	(pc) =	sbr.rel @p1 .LBB2_4-.Ltmp1, $4  }
0xaa: {  	vm6 =	vge.u32 v22, v19;
	vm7 =	vge.u32 v23, v19;
	v21 =	vld [tilespmem:s13+$0x50];
	vm5 =	vge.u32 v26, v19  }
0xab: {  	v28 =	vsel vm4, $0x1, v17;
	v27 =	vsel vm3, $0x1, v17;
	v22 =	vld [tilespmem:s13+$0x20];
	vm8 =	vge.u32 v33, v19  }
0xac: {  	v29 =	vsel vm6, $0x1, v17;
	v36 =	vsel vm5, $0x1, v17;
	v23 =	vld [tilespmem:s13+$0x30];
	v33 =	vsel vm8, $0x1, v17;
	v25 =	vmovc v32  }
0xad: {  	s14 =	sadd.s32 $0x200, s14;
	v30 =	vadd.s32 v36, v31;
	v32 =	vsel vm7, $0x1, v17;
	v26 =	vld [tilespmem:s13+$0x0];
	v31 =	vadd.s32 v33, v35;
	v24 =	vmovc v34  }
0xae: {  	v33 =	vld [tilespmem:s13+$0x10];
	v29 =	vadd.s32 v29, v30;
	v51 =	vadd.s32 v32, v31;
	v52 =	vsel vm2, $0x1, v17  }
0xaf: {  	v54 =	vsel vm1, $0x1, v17;
	vm1 =	vge.u32 v25, v19;
	vm2 =	vge.u32 v20, v19  }
0xb0: {  	vm4 =	vge.u32 v24, v19;
	v28 =	vadd.s32 v28, v29;
	v53 =	vadd.s32 v52, v51  }
0xb1: {  	vm3 =	vge.u32 v21, v19;
	v20 =	vsel vm1, $0x1, v17;
	v55 =	vadd.s32 v27, v28  }
0xb2: {  	v56 =	vadd.s32 v54, v53;
	vm6 =	vge.u32 v22, v19;
	v61 =	vsel vm3, $0x1, v17  }
0xb3: {  	vm7 =	vge.u32 v23, v19;
	vm5 =	vge.u32 v26, v19;
	vm8 =	vge.u32 v33, v19  }
0xb4: {  	v59 =	vsel vm6, $0x1, v17;
	v57 =	vsel vm5, $0x1, v17;
	v58 =	vsel vm8, $0x1, v17  }
0xb5: {  	v60 =	vsel vm7, $0x1, v17;
	v21 =	vadd.s32 v57, v55;
	v22 =	vadd.s32 v58, v56  }
0xb6: {  	v19 =	vsel vm2, $0x1, v17;
	v21 =	vadd.s32 v59, v21;
	v22 =	vadd.s32 v60, v22  }
0xb7: {  	v63 =	vsel vm4, $0x1, v17;
	v19 =	vadd.s32 v19, v21;
	v62 =	vadd.s32 v61, v22  }
0xb8: {  	v19 =	vadd.s32 v20, v19;
	v20 =	vadd.s32 v63, v62  }
0xb9: {  	v19 =	vadd.s32 v19, v20  }
0xba: {  	(xrf0) =	vadd.scan.msk.s32 $0xffff, v19;
	_ =	sdelay $0x3  }
0xbb: {  	s30 =	sshll.u32 s10, $0x4  }
0xbc: {  	v19 =	vor.u32 s30, v18  }
0xbd: {  	v20, _, _ =	vpop (xrf0)  }
0xbe: {  	v20 =	vbroadcast v20, $0xF;
	_ =	sdelay $0x1  }
0xbf: {  	[tilespmem:$0x10080] =	vst v20  }
0xc0: {  	[spmem:s7] =	stream.indirect_vreg.scatter.add.s32 [tilespmem:s9], [sflag:$0x1], $0x1, v19, vm0, $0xb8;
	[tilespmem:$0x11340] =	vst v63  }
0xc1: {  	_ =	swait.ge [sflag:s8], $0x10  }
0xc2: {  	[sflag:s8] =	ssyncset.done $0x0  }
0xc3: {  	[sflag:s8] =	ssyncadd.s32 $0xFFFFFFF0  }
0xc4: {  	s13 =	sadd.s32 s30, s7;
	[bflag:$0x0] =	sbarrier.arrive $0xFFFF  }
0xc5: {  	[tilespmem:s9], [sflag:$0x1] =	stream.linear.gather [spmem:s13], $0x10, $0x38;
	[tilespmem:$0x11340] =	vst v63  }
0xc6: {  	_ =	swait.ge [sflag:s8], $0x10  }
0xc7: {  	[sflag:s8] =	ssyncset.done $0x0  }
0xc8: {  	[sflag:s8] =	ssyncadd.s32 $0xFFFFFFF0  }
0xc9: {  	v19 =	vld [tilespmem:$0x10080];
	_ =	sdelay $0x4  }
0xca: {  	v19 =	vxor.u32 $0x80000000, v19  }
0xcb: {  	(xrf0) =	vmax.scan.msk.u32 $0xffff, v19;
	_ =	sdelay $0x5  }
0xcc: {  	v19, _, _ =	vpop (xrf0)  }
0xcd: {  	(v2sf) =	vpush v19, $0xF;
	_ =	sdelay $0xa  }
0xce: {  	s10 =	sadd.s32 $0x1, s10  }
0xcf: {  	p2 =	sne.s32 s10, $0x1F  }
.Ltmp2:
0xd0: {  	_ = 	snop;
	(pc) =	sbr.rel @p2 .LBB2_3-.Ltmp2, $4  }
0xd1: {  	_ = 	snop  }
0xd2: {  	s31 =	spop (v2sf)  }
0xd3: {  	p1 =	sgt.u32 s31, $0x8007FFFF  }
0xd4: {  	s6 =	smov.u32 @p1 s12  }
0xd5: {  	v1 =	vmax.f32 v1, v2  }
0xd6: {  	v1 =	vmax.f32 v1, v3  }
0xd7: {  	v1 =	vmax.f32 v1, v4  }
0xd8: {  	v1 =	vmax.f32 v1, v5  }
0xd9: {  	v1 =	vmax.f32 v1, v6  }
0xda: {  	v1 =	vmax.f32 v1, v7  }
0xdb: {  	v1 =	vmax.f32 v1, v8  }
0xdc: {  	v1 =	vmax.f32 v1, v9  }
0xdd: {  	v1 =	vmax.f32 v1, v10  }
0xde: {  	v1 =	vmax.f32 v1, v11  }
0xdf: {  	v1 =	vmax.f32 v1, v12  }
0xe0: {  	v1 =	vmax.f32 v1, v13  }
0xe1: {  	v1 =	vmax.f32 v1, v14  }
0xe2: {  	v1 =	vmax.f32 v1, v15  }
0xe3: {  	v1 =	vmax.f32 v1, v16  }
0xe4: {  	s7 =	simm.s32 $0x0;
	(xrf0) =	vmax.scan.msk.f32 $0xffff, v1  }
0xe5: {  	v8 =	vld [tilespmem:s7+$0x0]  }
0xe6: {  	v5 =	vld [tilespmem:s7+$0x20]  }
0xe7: {  	v7 =	vld [tilespmem:s7+$0x10];
	_ =	sdelay $0x1  }
0xe8: {  	v6 =	vld [tilespmem:s7+$0x30]  }
0xe9: {  	v4 =	vimm.s32 $0x80000000;
	vm0 =	vgt.s32 v8, $0xFFFFFFFF;
	v1, _, _ =	vpop (xrf0)  }
0xea: {  	v3 =	vsel vm0, $0xFFFFFFFF, v4;
	v1 =	vbroadcast v1, $0xF  }
0xeb: {  	vm14 =	vgt.s32 v5, $0xFFFFFFFF;
	vm1 =	vgt.s32 v7, $0xFFFFFFFF;
	v3 =	vxor.u32 v8, v3  }
0xec: {  	v10 =	vsel vm14, $0xFFFFFFFF, v4;
	v9 =	vsel vm1, $0xFFFFFFFF, v4;
	v3 =	vsub.f32 v3, v1  }
0xed: {  	vm15 =	vgt.s32 v6, $0xFFFFFFFF;
	v10 =	vxor.u32 v5, v10;
	v9 =	vxor.u32 v7, v9  }
0xee: {  	s31 =	simm.s32 $0x40;
	v11 =	vsub.f32 v9, v1;
	v9 =	vsel vm15, $0xFFFFFFFF, v4;
	v12 =	vmul.f32 v3, v0  }
0xef: {  	v10 =	vsub.f32 v10, v1;
	v13 =	vxor.u32 v6, v9;
	v9 =	vld [tilespmem:s31+$0x30]  }
0xf0: {  	v16 =	vmul.f32 v11, v0;
	v11 =	vld [tilespmem:s31+$0x20];
	v18 =	vmul.f32 $1.442695020e+00, v12  }
0xf1: {  	v2 =	vmov s6;
	v17 =	vsub.f32 v13, v1;
	v15 =	vmul.f32 v10, v0;
	v12 =	vld [tilespmem:s31+$0x10]  }
0xf2: {  	v14 =	vimm.f32 $0.0e+00;
	v13 =	vld [tilespmem:s31+$0x0];
	v16 =	vmul.f32 $1.442695020e+00, v16;
	(erf) = vpow2.f32 v18  }
0xf3: {  	s7 =	simm.s32 $0x200;
	v3 =	vimm.s32 $0x0;
	v10 =	vimm.s32 $0x0;
	v17 =	vmul.f32 v17, v0  }
.LBB2_7:
0xf4: {  	p1 =	sne.s32 s7, $0x3FF00;
	v15 =	vmul.f32 $1.442695020e+00, v15;
	vm0 =	vgt.u32 v6, v2;
	(erf) = vpow2.f32 v16;
	v6 =	vmovc v9  }
0xf5: {  	vm3 =	vgt.u32 v8, v2;
	vm2 =	vgt.u32 v7, v2;
	vm1 =	vgt.u32 v5, v2;
	v5 =	vmovc v11  }
0xf6: {  	vm4 =	vgt.s32 v6, $0xFFFFFFFF;
	v9 =	vmul.f32 $1.442695020e+00, v17;
	(erf) = vpow2.f32 v15;
	v7 =	vmovc v12  }
0xf7: {  	vm7 =	vgt.s32 v5, $0xFFFFFFFF;
	vm5 =	vgt.s32 v13, $0xFFFFFFFF;
	vm6 =	vgt.s32 v7, $0xFFFFFFFF;
	v8 =	vmovc v13  }
0xf8: {  	v17 =	vsel vm1, $0x1, v3;
	v18 =	vsel vm0, $0x1, v3;
	(erf) = vpow2.f32 v9  }
0xf9: {  	v12 =	vsel vm3, $0x1, v3;
	v13 =	vsel vm2, $0x1, v3;
	v9 =	vsel vm4, $0xFFFFFFFF, v4  }
0xfa: {  	v16 =	vsel vm7, $0xFFFFFFFF, v4;
	v11 =	vsel vm5, $0xFFFFFFFF, v4;
	v15 =	vsel vm6, $0xFFFFFFFF, v4  }
0xfb: {  	v16 =	vxor.u32 v5, v16;
	v11 =	vxor.u32 v8, v11;
	v15 =	vxor.u32 v7, v15;
	v19 =	vpop (erf)  }
0xfc: {  	v22 =	vsub.f32 v16, v1;
	v11 =	vsub.f32 v11, v1;
	v20 =	vnsel vm3, $0x0, v19  }
0xfd: {  	v9 =	vxor.u32 v6, v9;
	v15 =	vsub.f32 v15, v1;
	v14 =	vadd.f32 v20, v14;
	v19 =	vpop (erf)  }
0xfe: {  	s8 =	sshra.s32 s7, $0x2;
	v21 =	vsub.f32 v9, v1;
	v20 =	vmul.f32 v11, v0;
	v11 =	vnsel vm2, $0x0, v19  }
.Ltmp3:
0xff: {  	v23 =	vmul.f32 v15, v0;
	v15 =	vmul.f32 v22, v0;
	v9 =	vld [tilespmem:s8+$0x30];
	v14 =	vadd.f32 v11, v14;
	v16 =	vpop (erf);
	(pc) =	sbr.rel @p1 .LBB2_7-.Ltmp3, $4  }
0x100: {  	v10 =	vadd.s32 v12, v10;
	v20 =	vmul.f32 $1.442695020e+00, v20;
	v11 =	vld [tilespmem:s8+$0x20];
	v22 =	vnsel vm1, $0x0, v16  }
0x101: {  	v10 =	vadd.s32 v13, v10;
	v16 =	vmul.f32 $1.442695020e+00, v23;
	v12 =	vld [tilespmem:s8+$0x10];
	v14 =	vadd.f32 v22, v14;
	v19 =	vpop (erf)  }
0x102: {  	v10 =	vadd.s32 v17, v10;
	v13 =	vld [tilespmem:s8+$0x0];
	(erf) = vpow2.f32 v20;
	v19 =	vnsel vm0, $0x0, v19  }
0x103: {  	s7 =	sadd.s32 $0x100, s7;
	v10 =	vadd.s32 v18, v10;
	v17 =	vmul.f32 v21, v0;
	v14 =	vadd.f32 v19, v14  }
0x104: {  	_ = 	snop  }
0x105: {  	v15 =	vmul.f32 $1.442695020e+00, v15;
	vm0 =	vgt.u32 v6, v2  }
0x106: {  	(erf) = vpow2.f32 v16;
	vm2 =	vgt.u32 v8, v2;
	vm3 =	vgt.u32 v7, v2  }
0x107: {  	vm1 =	vgt.u32 v5, v2;
	vm4 =	vgt.s32 v9, $0xFFFFFFFF;
	vm5 =	vgt.s32 v13, $0xFFFFFFFF  }
0x108: {  	vm15 =	vgt.u32 v9, v2;
	v44 =	vmul.f32 $1.442695020e+00, v17;
	v45 =	vsel vm5, $0xFFFFFFFF, v4  }
0x109: {  	vm7 =	vgt.s32 v11, $0xFFFFFFFF;
	v46 =	vsel vm1, $0x1, v3;
	v47 =	vxor.u32 v13, v45  }
0x10a: {  	v48 =	vsel vm4, $0xFFFFFFFF, v4;
	v50 =	vsel vm2, $0x1, v3;
	v5 =	vsub.f32 v47, v1  }
0x10b: {  	v53 =	vsel vm3, $0x1, v3;
	v57 =	vsel vm0, $0x1, v3;
	vm6 =	vgt.s32 v12, $0xFFFFFFFF  }
0x10c: {  	(erf) = vpow2.f32 v15;
	v49 =	vsel vm6, $0xFFFFFFFF, v4;
	v5 =	vmul.f32 v5, v0  }
0x10d: {  	vm14 =	vgt.u32 v11, v2;
	v51 =	vsel vm7, $0xFFFFFFFF, v4;
	v8 =	vxor.u32 v12, v49  }
0x10e: {  	(erf) = vpow2.f32 v44;
	v8 =	vsub.f32 v8, v1;
	v5 =	vmul.f32 $1.442695020e+00, v5  }
0x10f: {  	v6 =	vxor.u32 v9, v48;
	v10 =	vadd.s32 v50, v10;
	v4 =	vxor.u32 v11, v51  }
0x110: {  	v4 =	vsub.f32 v4, v1;
	v52 =	vpop (erf);
	v8 =	vmul.f32 v8, v0;
	(erf) = vpow2.f32 v5  }
0x111: {  	vm13 =	vgt.u32 v12, v2;
	v6 =	vsub.f32 v6, v1;
	v10 =	vadd.s32 v53, v10  }
0x112: {  	v4 =	vmul.f32 v4, v0;
	v16 =	vnsel vm2, $0x0, v52;
	v8 =	vmul.f32 $1.442695020e+00, v8  }
0x113: {  	vm12 =	vgt.u32 v13, v2;
	v6 =	vmul.f32 v6, v0;
	v14 =	vadd.f32 v16, v14;
	v54 =	vpop (erf)  }
0x114: {  	v4 =	vmul.f32 $1.442695020e+00, v4;
	v16 =	vnsel vm3, $0x0, v54;
	(erf) = vpow2.f32 v8  }
0x115: {  	v61 =	vsel vm13, $0x1, v3;
	v7 =	vadd.s32 v46, v10;
	v55 =	vadd.f32 v16, v14;
	v56 =	vpop (erf)  }
0x116: {  	v6 =	vmul.f32 $1.442695020e+00, v6;
	v14 =	vnsel vm1, $0x0, v56;
	(erf) = vpow2.f32 v4  }
0x117: {  	v60 =	vsel vm12, $0x1, v3;
	v7 =	vadd.s32 v57, v7;
	v58 =	vpop (erf);
	v5 =	vadd.f32 v14, v55  }
0x118: {  	v59 =	vnsel vm0, $0x0, v58;
	(erf) = vpow2.f32 v6;
	v6 =	vadd.s32 v60, v7  }
0x119: {  	v2 =	vsel vm14, $0x1, v3;
	v4 =	vadd.f32 v59, v5;
	v6 =	vadd.s32 v61, v6;
	v62 =	vpop (erf)  }
0x11a: {  	v3 =	vsel vm15, $0x1, v3;
	v2 =	vadd.s32 v2, v6;
	v5 =	vnsel vm12, $0x0, v62  }
0x11b: {  	v2 =	vadd.s32 v3, v2;
	v3 =	vadd.f32 v5, v4;
	_ =	sdelay $0x1  }
0x11c: {  	v63 =	vpop (erf)  }
0x11d: {  	(xrf0) =	vadd.scan.msk.s32 $0xffff, v2;
	v2 =	vnsel vm13, $0x0, v63  }
0x11e: {  	v2 =	vadd.f32 v2, v3;
	v3 =	vpop (erf)  }
0x11f: {  	v3 =	vnsel vm14, $0x0, v3;
	_ =	sdelay $0x2  }
0x120: {  	v2 =	vadd.f32 v3, v2;
	v3 =	vpop (erf)  }
0x121: {  	v3 =	vnsel vm15, $0x0, v3;
	_ =	sdelay $0x2  }
0x122: {  	v2 =	vadd.f32 v3, v2;
	v3, _, _ =	vpop (xrf0)  }
0x123: {  	v3 =	vbroadcast v3, $0xF  }
0x124: {  	[tilespmem:$0x10000] =	vst v2  }
0x125: {  	s7 =	simm.s32 $0x10000;
	[tilespmem:$0x10080] =	vst v3  }
0x126: {  	[spmem:s5] =	stream.linear.scatter [tilespmem:s7], [sflag:$0x1], $0x80, $0x38;
	[tilespmem:$0x11340] =	vst v63  }
0x127: {  	s5 =	simm.s32 $0x1  }
0x128: {  	_ =	swait.ge [sflag:s5], $0x80  }
0x129: {  	[sflag:s5] =	ssyncset.done $0x0  }
0x12a: {  	s8 =	simm.s32 $0x10080;
	[sflag:s5] =	ssyncadd.s32 $0xFFFFFF80  }
0x12b: {  	[spmem:s4] =	stream.linear.scatter [tilespmem:s8], [sflag:$0x1], $0x80, $0x38;
	[tilespmem:$0x11340] =	vst v63  }
0x12c: {  	_ =	swait.ge [sflag:s5], $0x80  }
0x12d: {  	[sflag:s5] =	ssyncset.done $0x0  }
0x12e: {  	[sflag:s5] =	ssyncadd.s32 $0xFFFFFF80  }
0x12f: {  	s30 =	simm.s32 $0x10300;
	[bflag:$0x0] =	sbarrier.arrive $0xFFFF  }
0x130: {  	[tilespmem:s30], [sflag:$0x1] =	stream.linear.gather [spmem:s3], $0x800, $0x38;
	[tilespmem:$0x11340] =	vst v63  }
0x131: {  	_ =	swait.ge [sflag:s5], $0x800  }
0x132: {  	[sflag:s5] =	ssyncset.done $0x0  }
0x133: {  	s31 =	simm.s32 $0x10B00;
	[sflag:s5] =	ssyncadd.s32 $0xFFFFF800  }
0x134: {  	[tilespmem:s31], [sflag:$0x1] =	stream.linear.gather [spmem:s2], $0x800, $0x38;
	[tilespmem:$0x11340] =	vst v63  }
0x135: {  	_ =	swait.ge [sflag:s5], $0x800  }
0x136: {  	[sflag:s5] =	ssyncset.done $0x0  }
0x137: {  	[sflag:s5] =	ssyncadd.s32 $0xFFFFF800  }
0x138: {  	_ =	sfence.sel @p0 $0x180000  }
0x139: {  	[bflag:$0x0] =	sbarrier.arrive @p0 $0xFFFF  }
0x13a: {  	_ =	strace @p0 $0x90000047  }
0x13b: {  	[bflag:$0x2] =	sbarrier.arrive @p0 $0xFFFF  }
0x13c: {  	_ =	shalt @p0  }
.LBB2_9:
0x13d: {  	v2 =	vld [tilespmem:$0x11200]  }
0x13e: {  	v3 =	vld [tilespmem:$0x11100]  }
0x13f: {  	v4 =	vld [tilespmem:$0x11000]  }
0x140: {  	v5 =	vld [tilespmem:$0x10F00]  }
0x141: {  	v6 =	vld [tilespmem:$0x10E00]  }
0x142: {  	v7 =	vld [tilespmem:$0x10D00]  }
0x143: {  	v8 =	vld [tilespmem:$0x10C00]  }
0x144: {  	v9 =	vld [tilespmem:$0x10B80]  }
0x145: {  	v10 =	vld [tilespmem:$0x10300]  }
0x146: {  	v11 =	vld [tilespmem:$0x10B00]  }
0x147: {  	v12 =	vld [tilespmem:$0x10380]  }
0x148: {  	v13 =	vld [tilespmem:$0x10C80]  }
0x149: {  	v14 =	vld [tilespmem:$0x10400]  }
0x14a: {  	v15 =	vld [tilespmem:$0x10D80]  }
0x14b: {  	v34 =	vld [tilespmem:$0x10480];
	v10 =	vadd.f32 $0.0e+00, v10;
	v9 =	vadd.s32 v11, v9  }
0x14c: {  	v16 =	vld [tilespmem:$0x10E80];
	v8 =	vadd.s32 v9, v8  }
0x14d: {  	v36 =	vld [tilespmem:$0x10500];
	v35 =	vadd.f32 v12, v10;
	v8 =	vadd.s32 v8, v13  }
0x14e: {  	v37 =	vld [tilespmem:$0x10F80];
	v7 =	vadd.s32 v8, v7  }
0x14f: {  	v39 =	vld [tilespmem:$0x10580];
	v38 =	vadd.f32 v14, v35;
	v7 =	vadd.s32 v7, v15  }
0x150: {  	v40 =	vld [tilespmem:$0x11080];
	v6 =	vadd.s32 v7, v6  }
0x151: {  	v42 =	vld [tilespmem:$0x10600];
	v41 =	vadd.f32 v34, v38;
	v6 =	vadd.s32 v6, v16  }
0x152: {  	v43 =	vld [tilespmem:$0x11180];
	v5 =	vadd.s32 v6, v5  }
0x153: {  	v45 =	vld [tilespmem:$0x10680];
	v44 =	vadd.f32 v36, v41;
	v5 =	vadd.s32 v5, v37  }
0x154: {  	v46 =	vld [tilespmem:$0x11280];
	v4 =	vadd.s32 v5, v4  }
0x155: {  	v47 =	vadd.f32 v39, v44;
	v4 =	vadd.s32 v4, v40  }
0x156: {  	v48 =	vld [tilespmem:$0x10700];
	v3 =	vadd.s32 v4, v3  }
0x157: {  	v49 =	vadd.f32 v42, v47;
	v3 =	vadd.s32 v3, v43  }
0x158: {  	v50 =	vld [tilespmem:$0x10780];
	v2 =	vadd.s32 v3, v2  }
0x159: {  	v51 =	vadd.f32 v45, v49;
	v2 =	vadd.s32 v2, v46  }
0x15a: {  	v52 =	vld [tilespmem:$0x10800];
	v2 =	vxor.u32 $0x80000000, v2  }
0x15b: {  	v3 =	vadd.f32 v48, v51;
	(xrf0) =	vmax.scan.msk.u32 $0xffff, v2  }
0x15c: {  	v53 =	vld [tilespmem:$0x10880]  }
0x15d: {  	v54 =	vadd.f32 v50, v3  }
0x15e: {  	v55 =	vld [tilespmem:$0x10900]  }
0x15f: {  	p0 =	sgt.s32 s6, $0xFFFFFFFF;
	s2 =	simm.s32 $0xFFFFFFFF;
	v2 =	vadd.f32 v52, v54  }
0x160: {  	v56 =	vld [tilespmem:$0x10980];
	s2 =	simm.s32 @!p0 $0x80000000  }
0x161: {  	s2 =	sxor.u32 s6, s2;
	v2 =	vadd.f32 v53, v2;
	v58, _, _ =	vpop (xrf0)  }
0x162: {  	v57 =	vld [tilespmem:$0x10A00];
	v60 =	vmov s2;
	(v2sf) =	vpush v58, $0xF  }
0x163: {  	v61 =	vbroadcast v60, $0x0;
	v2 =	vadd.f32 v55, v2  }
0x164: {  	v59 =	vld [tilespmem:$0x10A80]  }
0x165: {  	v4 =	vsub.f32 v61, v1;
	v2 =	vadd.f32 v56, v2;
	_ =	sdelay $0x1  }
0x166: {  	v0 =	vmul.f32 v4, v0;
	v2 =	vadd.f32 v57, v2;
	_ =	sdelay $0x1  }
0x167: {  	v0 =	vmul.f32 $1.442695020e+00, v0;
	v2 =	vadd.f32 v59, v2;
	_ =	sdelay $0x1  }
0x168: {  	(erf) = vpow2.f32 v0;
	(xrf2) =	vadd.scan.msk.f32 $0xffff, v2;
	_ =	sdelay $0x5  }
0x169: {  	s30 =	spop (v2sf)  }
0x16a: {  	s2 =	sxor.u32 $0x80000000, s30  }
0x16b: {  	s2 =	ssub.s32 $0x80000, s2  }
0x16c: {  	v63 =	vpop (erf);
	s2 =	scvt.s32.f32 s2  }
0x16d: {  	v62, _, _ =	vpop (xrf2)  }
0x16e: {  	v0 =	vbroadcast v62, $0xF;
	v2 =	vmul.f32 s2, v63;
	_ =	sdelay $0x1  }
0x16f: {  	v0 =	vadd.f32 v2, v0  }
0x170: {  	vm0 =	vmmov $0x1  }
0x171: {  	v0 =	vsel vm0, v0, v1  }
0x172: {  	s31 =	simm.s32 $0x0;
	[tilespmem:$0x10000] =	vst v0  }
0x173: {  	[hbm4b:s1+s31] =	stream.linear.scatter [tilespmem:s7], [sflag:$0x1], $0x80, $0x38;
	[tilespmem:$0x11340] =	vst v63  }
0x174: {  	_ =	swait.ge [sflag:s5], $0x80  }
0x175: {  	[sflag:s5] =	ssyncset.done $0x0  }
0x176: {  	[sflag:s5] =	ssyncadd.s32 $0xFFFFFF80  }
0x177: {  	_ =	sfence.sel $0x180000  }
0x178: {  	[bflag:$0x0] =	sbarrier.arrive $0xFFFF  }
0x179: {  	_ =	strace $0x90000047  }
0x17a: {  	s0 =	sadd.s32 $0x100000, s0;
	[bflag:$0x2] =	sbarrier.arrive $0xFFFF  }
0x17b: {  	[sflag:s0] =	ssyncadd.tile.s32 $0x1;
	_ =	shalt  }
.Lfunc_end2:
_tile_overlayer_lowered:
.L_overlay_start_2:
0x17c: {  	(tag) =	ssettag $0x2  }
0x17d: {  	s0 =	rddreg [dreg:$0x0];
	s2 =	stileid.u32  }
0x17e: {  	s1 =	rddreg [dreg:$0x1];
	p0 =	sne.s32 s2, $0x0  }
0x17f: {  	s3 =	rddreg [dreg:$0x2];
	[bflag:$0x3] =	sbarrier.arrive $0xFFFF;
	s2 =	simm.s32 @!p0 $0x1C01  }
0x180: {  	[timem:s3], [sflag:s2] =	dma.local @!p0 [hbm:s0], s1  }
0x181: {  	s0 =	simm.s32 @!p0 $0x1  }
0x182: {  	_ =	swait.ge @!p0 [sflag:s0], s1  }
0x183: {  	s1 =	ssub.s32 @!p0 $0x0, s1;
	[sflag:s0] =	ssyncset.done @!p0 $0x0  }
0x184: {  	[sflag:s0] =	ssyncadd.s32 @!p0 s1  }
0x185: {  	[bflag:$0x3] =	sbarrier.arrive $0xFFFF  }
0x186: {  	_ =	shalt  }

</sc_bundles>
